<compile_context>
chip_gen: v7x
topology: tpu7x:2x2x1
jax: 0.10.2.dev20260603
libtpu: 0.0.44.dev20260713+nightly
codegen_flags: <defaults>
</compile_context>

<pallas_src>
import functools

import jax
import jax.numpy as jnp
from jax import lax
from jax.experimental import pallas as pl
from jax.experimental.pallas import tpu as pltpu
from jax.experimental.pallas import tpu_sc as plsc

_NC = 2
_NS = 16
_NW = _NC * _NS
_CH = 128
_NBUF = 4


@functools.lru_cache(maxsize=None)
def _build(B, V, D):
    assert B % (_NW * _CH) == 0, (B, _NW, _CH)
    bpw = B // _NW
    nch = bpw // _CH
    ngrp = nch // _NBUF
    assert nch % _NBUF == 0, (nch, _NBUF)

    mesh = plsc.VectorSubcoreMesh(core_axis_name="c", subcore_axis_name="s")

    @functools.partial(
        pl.kernel,
        mesh=mesh,
        out_type=jax.ShapeDtypeStruct((B, D), jnp.float32),
        scratch_types=[
            pltpu.VMEM((bpw,), jnp.int32),
            pltpu.VMEM((_NBUF, _CH, D), jnp.float32),
        ]
        + [pltpu.SemaphoreType.DMA] * (2 * _NBUF),
        compiler_params=pltpu.CompilerParams(use_tc_tiling_on_sc=False),
        cost_estimate=pl.CostEstimate(
            flops=0,
            transcendentals=0,
            bytes_accessed=2 * B * D * 4 + B * 4,
        ),
    )
    def gather_kernel(x_hbm, idx_hbm, out_hbm, idx_v, rows_v, *sems):
        gsems = sems[:_NBUF]
        wsems = sems[_NBUF:]
        wid = lax.axis_index("s") * _NC + lax.axis_index("c")
        base = wid * bpw

        pltpu.sync_copy(idx_hbm.at[pl.ds(base, bpw)], idx_v)

        def start_gather(j, b):
            pltpu.make_async_copy(
                x_hbm.at[idx_v.at[pl.ds(j * _CH, _CH)]],
                rows_v.at[b],
                gsems[b],
            ).start()

        def wait_gather(b):
            pltpu.make_async_copy(
                x_hbm.at[pl.ds(0, _CH)], rows_v.at[b], gsems[b]
            ).wait()

        def start_write(j, b):
            pltpu.make_async_copy(
                rows_v.at[b],
                out_hbm.at[pl.ds(base + j * _CH, _CH)],
                wsems[b],
            ).start()

        def wait_write(b):
            pltpu.make_async_copy(
                rows_v.at[b], out_hbm.at[pl.ds(0, _CH)], wsems[b]
            ).wait()

        for b in range(_NBUF):
            start_gather(b, b)

        def group(g, carry):
            for b in range(_NBUF):
                wait_gather(b)
                start_write(g * _NBUF + b, b)

            @pl.when(g + 1 < ngrp)
            def _():
                for b in range(_NBUF):
                    wait_write(b)
                    start_gather((g + 1) * _NBUF + b, b)

            return carry

        lax.fori_loop(0, ngrp, group, 0)

        for b in range(_NBUF):
            wait_write(b)

    return gather_kernel


@functools.lru_cache(maxsize=None)
def _build_tc_transpose(H, W, bw):
    def body(in_ref, out_ref):
        out_ref[...] = in_ref[...].T

    return pl.pallas_call(
        body,
        grid=((W + bw - 1) // bw,),
        in_specs=[pl.BlockSpec((H, bw), lambda i: (0, i))],
        out_specs=pl.BlockSpec((bw, H), lambda i: (i, 0)),
        out_shape=jax.ShapeDtypeStruct((W, H), jnp.float32),
    )


@functools.lru_cache(maxsize=None)
def _build_tc_transpose_h(H, W, bh):
    def body(in_ref, out_ref):
        out_ref[...] = in_ref[...].T

    return pl.pallas_call(
        body,
        grid=(H // bh,),
        in_specs=[pl.BlockSpec((bh, W), lambda i: (i, 0))],
        out_specs=pl.BlockSpec((W, bh), lambda i: (0, i)),
        out_shape=jax.ShapeDtypeStruct((W, H), jnp.float32),
    )


def kernel(x, indices):
    V, D = x.shape
    (B,) = indices.shape
    idx = indices.astype(jnp.int32)
    x_rm = _build_tc_transpose(D, V, 8192)(x.T)
    out_rm = _build(B, V, D)(x_rm, idx)
    return _build_tc_transpose_h(B, D, 8192)(out_rm).T

# --- scband reference (transcript-rebuilt; emitter-appended) ---
"""Pipeline reference for scband-index-select-48773648614246 (READ-ONLY COPY).

The authoritative reference and input builder live on the scoring server;
editing this copy changes nothing except your own understanding.
"""

import jax, jax.numpy as jnp
import numpy as np


def setup_inputs(seed: int = 0) -> dict:
    key = jax.random.key(seed)
    k1, k2 = jax.random.split(key)
    x = jax.random.normal(k1, (1000000, 64), dtype=jnp.float32)
    indices = jax.random.randint(k2, (425984,), 0, 1000000, dtype=jnp.int64)
    return {"x": x, "indices": indices}


def reference(x, indices):
    # torch.index_select(x, dim=0, indices) == jnp.take(x, indices, axis=0)
    return jnp.take(x, indices, axis=0)

if __name__ == "__main__":
    import jax
    _d = setup_inputs()
    print(jax.jit(kernel)(*tuple(_d.values())))

</pallas_src>

<mosaic_0001>
#map = affine_map<(d0, d1) -> (0, 0)>
#map1 = affine_map<(d0, d1) -> (0)>
module attributes {stable_mosaic.version = 14 : i64} {
  func.func @gather_kernel(%arg0: i32, %arg1: i32, %arg2: memref<1000000x64xf32, #tpu.memory_space<hbm>>, %arg3: memref<425984xi32, #tpu.memory_space<hbm>>, %arg4: memref<425984x64xf32, #tpu.memory_space<hbm>>, %arg5: memref<13312xi32, #tpu.memory_space<vmem>>, %arg6: memref<4x128x64xf32, #tpu.memory_space<vmem>>, %arg7: memref<!tpu.dma_semaphore, #tpu.memory_space<semaphore_mem>>, %arg8: memref<!tpu.dma_semaphore, #tpu.memory_space<semaphore_mem>>, %arg9: memref<!tpu.dma_semaphore, #tpu.memory_space<semaphore_mem>>, %arg10: memref<!tpu.dma_semaphore, #tpu.memory_space<semaphore_mem>>, %arg11: memref<!tpu.dma_semaphore, #tpu.memory_space<semaphore_mem>>, %arg12: memref<!tpu.dma_semaphore, #tpu.memory_space<semaphore_mem>>, %arg13: memref<!tpu.dma_semaphore, #tpu.memory_space<semaphore_mem>>, %arg14: memref<!tpu.dma_semaphore, #tpu.memory_space<semaphore_mem>>) attributes {dimension_semantics = [#tpu.dimension_semantics<core_parallel>, #tpu.dimension_semantics<subcore_parallel>], iteration_bounds = array<i64: 2, 16>, scalar_prefetch = 0 : i64, scratch_operands = 10 : i64, tpu.core_type = #tpu.core_type<sc_vector_subcore>, window_params = [{transform_indices = #map}, {transform_indices = #map1}, {transform_indices = #map}]} {
    %mul3A = arith.constant 2 : i32
    %mul3A_0 = arith.muli %arg1, %mul3A : i32
    %add3A = arith.addi %mul3A_0, %arg0 : i32
    %mul3A_1 = arith.constant 13312 : i32
    %mul3A_2 = arith.muli %add3A, %mul3A_1 : i32
    "tpu.region"() ({
      %run_scoped3A = tpu.sem_alloc : memref<!tpu.dma_semaphore, #tpu.memory_space<semaphore_mem>>
      %dma_start3A_106 = tpu.memref_slice %arg3[%mul3A_2] : memref<425984xi32, #tpu.memory_space<hbm>> -> memref<13312xi32, #tpu.memory_space<hbm>>
      %dma_start3A_107 = tpu.memref_slice %arg3[%mul3A_2] : memref<425984xi32, #tpu.memory_space<hbm>> -> memref<13312xi32, #tpu.memory_space<hbm>>
      tpu.enqueue_dma source(%dma_start3A_107 : memref<13312xi32, #tpu.memory_space<hbm>>) target(%arg5 : memref<13312xi32, #tpu.memory_space<vmem>>) target_semaphore(%run_scoped3A : memref<!tpu.dma_semaphore, #tpu.memory_space<semaphore_mem>>)
      %dma_wait3A_108 = tpu.memref_slice %arg3[%mul3A_2] : memref<425984xi32, #tpu.memory_space<hbm>> -> memref<13312xi32, #tpu.memory_space<hbm>>
      %dma_wait3A_109 = tpu.memref_slice %arg3[%mul3A_2] : memref<425984xi32, #tpu.memory_space<hbm>> -> memref<13312xi32, #tpu.memory_space<hbm>>
      tpu.wait_dma2 semaphore(%run_scoped3A : memref<!tpu.dma_semaphore, #tpu.memory_space<semaphore_mem>>) src(%dma_wait3A_109 : memref<13312xi32, #tpu.memory_space<hbm>>) dst(%arg5 : memref<13312xi32, #tpu.memory_space<vmem>>)
      tpu.yield
    }) : () -> ()
    %dma_start3A = arith.constant 0 : i32
    %dma_start3A_3 = arith.constant 0 : i32
    %dma_start3A_4 = arith.constant 0 : i32
    %dma_start3A_5 = tpu.memref_slice %arg6[%dma_start3A, %dma_start3A_3, %dma_start3A_4] : memref<4x128x64xf32, #tpu.memory_space<vmem>> -> memref<1x128x64xf32, #tpu.memory_space<vmem>>
    %dma_start3A_6 = tpu.memref_squeeze %dma_start3A_5 : memref<1x128x64xf32, #tpu.memory_space<vmem>> -> memref<128x64xf32, #tpu.memory_space<vmem>>
    %dma_start3A_7 = arith.constant 0 : i32
    %dma_start3A_8 = tpu.memref_slice %arg5[%dma_start3A_7] : memref<13312xi32, #tpu.memory_space<vmem>> -> memref<128xi32, #tpu.memory_space<vmem>>
    %dma_start3A_9 = arith.constant 0 : i32
    %dma_start3A_10 = arith.constant 0 : i32
    %dma_start3A_11 = tpu.memref_slice %arg2[%dma_start3A_9, %dma_start3A_10] : memref<1000000x64xf32, #tpu.memory_space<hbm>> -> memref<1000000x64xf32, #tpu.memory_space<hbm>>
    tpu.enqueue_indirect_dma source(%dma_start3A_11 : memref<1000000x64xf32, #tpu.memory_space<hbm>>) target(%dma_start3A_6 : memref<128x64xf32, #tpu.memory_space<vmem>>) offsets(%dma_start3A_8 : memref<128xi32, #tpu.memory_space<vmem>>) semaphore(%arg7 : memref<!tpu.dma_semaphore, #tpu.memory_space<semaphore_mem>>)
    %dma_start3A_12 = arith.constant 1 : i32
    %dma_start3A_13 = arith.constant 0 : i32
    %dma_start3A_14 = arith.constant 0 : i32
    %dma_start3A_15 = tpu.memref_slice %arg6[%dma_start3A_12, %dma_start3A_13, %dma_start3A_14] : memref<4x128x64xf32, #tpu.memory_space<vmem>> -> memref<1x128x64xf32, #tpu.memory_space<vmem>>
    %dma_start3A_16 = tpu.memref_squeeze %dma_start3A_15 : memref<1x128x64xf32, #tpu.memory_space<vmem>> -> memref<128x64xf32, #tpu.memory_space<vmem>>
    %dma_start3A_17 = arith.constant 128 : i32
    %dma_start3A_18 = tpu.memref_slice %arg5[%dma_start3A_17] : memref<13312xi32, #tpu.memory_space<vmem>> -> memref<128xi32, #tpu.memory_space<vmem>>
    %dma_start3A_19 = arith.constant 0 : i32
    %dma_start3A_20 = arith.constant 0 : i32
    %dma_start3A_21 = tpu.memref_slice %arg2[%dma_start3A_19, %dma_start3A_20] : memref<1000000x64xf32, #tpu.memory_space<hbm>> -> memref<1000000x64xf32, #tpu.memory_space<hbm>>
    tpu.enqueue_indirect_dma source(%dma_start3A_21 : memref<1000000x64xf32, #tpu.memory_space<hbm>>) target(%dma_start3A_16 : memref<128x64xf32, #tpu.memory_space<vmem>>) offsets(%dma_start3A_18 : memref<128xi32, #tpu.memory_space<vmem>>) semaphore(%arg8 : memref<!tpu.dma_semaphore, #tpu.memory_space<semaphore_mem>>)
    %dma_start3A_22 = arith.constant 2 : i32
    %dma_start3A_23 = arith.constant 0 : i32
    %dma_start3A_24 = arith.constant 0 : i32
    %dma_start3A_25 = tpu.memref_slice %arg6[%dma_start3A_22, %dma_start3A_23, %dma_start3A_24] : memref<4x128x64xf32, #tpu.memory_space<vmem>> -> memref<1x128x64xf32, #tpu.memory_space<vmem>>
    %dma_start3A_26 = tpu.memref_squeeze %dma_start3A_25 : memref<1x128x64xf32, #tpu.memory_space<vmem>> -> memref<128x64xf32, #tpu.memory_space<vmem>>
    %dma_start3A_27 = arith.constant 256 : i32
    %dma_start3A_28 = tpu.memref_slice %arg5[%dma_start3A_27] : memref<13312xi32, #tpu.memory_space<vmem>> -> memref<128xi32, #tpu.memory_space<vmem>>
    %dma_start3A_29 = arith.constant 0 : i32
    %dma_start3A_30 = arith.constant 0 : i32
    %dma_start3A_31 = tpu.memref_slice %arg2[%dma_start3A_29, %dma_start3A_30] : memref<1000000x64xf32, #tpu.memory_space<hbm>> -> memref<1000000x64xf32, #tpu.memory_space<hbm>>
    tpu.enqueue_indirect_dma source(%dma_start3A_31 : memref<1000000x64xf32, #tpu.memory_space<hbm>>) target(%dma_start3A_26 : memref<128x64xf32, #tpu.memory_space<vmem>>) offsets(%dma_start3A_28 : memref<128xi32, #tpu.memory_space<vmem>>) semaphore(%arg9 : memref<!tpu.dma_semaphore, #tpu.memory_space<semaphore_mem>>)
    %dma_start3A_32 = arith.constant 3 : i32
    %dma_start3A_33 = arith.constant 0 : i32
    %dma_start3A_34 = arith.constant 0 : i32
    %dma_start3A_35 = tpu.memref_slice %arg6[%dma_start3A_32, %dma_start3A_33, %dma_start3A_34] : memref<4x128x64xf32, #tpu.memory_space<vmem>> -> memref<1x128x64xf32, #tpu.memory_space<vmem>>
    %dma_start3A_36 = tpu.memref_squeeze %dma_start3A_35 : memref<1x128x64xf32, #tpu.memory_space<vmem>> -> memref<128x64xf32, #tpu.memory_space<vmem>>
    %dma_start3A_37 = arith.constant 384 : i32
    %dma_start3A_38 = tpu.memref_slice %arg5[%dma_start3A_37] : memref<13312xi32, #tpu.memory_space<vmem>> -> memref<128xi32, #tpu.memory_space<vmem>>
    %dma_start3A_39 = arith.constant 0 : i32
    %dma_start3A_40 = arith.constant 0 : i32
    %dma_start3A_41 = tpu.memref_slice %arg2[%dma_start3A_39, %dma_start3A_40] : memref<1000000x64xf32, #tpu.memory_space<hbm>> -> memref<1000000x64xf32, #tpu.memory_space<hbm>>
    tpu.enqueue_indirect_dma source(%dma_start3A_41 : memref<1000000x64xf32, #tpu.memory_space<hbm>>) target(%dma_start3A_36 : memref<128x64xf32, #tpu.memory_space<vmem>>) offsets(%dma_start3A_38 : memref<128xi32, #tpu.memory_space<vmem>>) semaphore(%arg10 : memref<!tpu.dma_semaphore, #tpu.memory_space<semaphore_mem>>)
    %scan3A = arith.constant 0 : i32
    %scan3A_42 = arith.constant 0 : i32
    %scan3A_43 = arith.constant 26 : i32
    %scan3A_44 = arith.addi %scan3A_42, %scan3A_43 : i32
    %scan3A_45 = arith.constant 1 : i32
    scf.for %scan3A_106 = %scan3A_42 to %scan3A_44 step %scan3A_45  : i32 {
      %dma_wait3A_107 = arith.constant 0 : i32
      %dma_wait3A_108 = arith.constant 0 : i32
      %dma_wait3A_109 = arith.constant 0 : i32
      %dma_wait3A_110 = tpu.memref_slice %arg6[%dma_wait3A_107, %dma_wait3A_108, %dma_wait3A_109] : memref<4x128x64xf32, #tpu.memory_space<vmem>> -> memref<1x128x64xf32, #tpu.memory_space<vmem>>
      %dma_wait3A_111 = tpu.memref_squeeze %dma_wait3A_110 : memref<1x128x64xf32, #tpu.memory_space<vmem>> -> memref<128x64xf32, #tpu.memory_space<vmem>>
      %dma_wait3A_112 = arith.constant 0 : i32
      %dma_wait3A_113 = arith.constant 0 : i32
      %dma_wait3A_114 = tpu.memref_slice %arg2[%dma_wait3A_112, %dma_wait3A_113] : memref<1000000x64xf32, #tpu.memory_space<hbm>> -> memref<128x64xf32, #tpu.memory_space<hbm>>
      %dma_wait3A_115 = arith.constant 0 : i32
      %dma_wait3A_116 = arith.constant 0 : i32
      %dma_wait3A_117 = tpu.memref_slice %arg6[%dma_wait3A_107, %dma_wait3A_115, %dma_wait3A_116] : memref<4x128x64xf32, #tpu.memory_space<vmem>> -> memref<1x128x64xf32, #tpu.memory_space<vmem>>
      %dma_wait3A_118 = tpu.memref_squeeze %dma_wait3A_117 : memref<1x128x64xf32, #tpu.memory_space<vmem>> -> memref<128x64xf32, #tpu.memory_space<vmem>>
      %dma_wait3A_119 = arith.constant 0 : i32
      %dma_wait3A_120 = arith.constant 0 : i32
      %dma_wait3A_121 = tpu.memref_slice %arg2[%dma_wait3A_119, %dma_wait3A_120] : memref<1000000x64xf32, #tpu.memory_space<hbm>> -> memref<128x64xf32, #tpu.memory_space<hbm>>
      tpu.wait_dma2 semaphore(%arg7 : memref<!tpu.dma_semaphore, #tpu.memory_space<semaphore_mem>>) src(%dma_wait3A_121 : memref<128x64xf32, #tpu.memory_space<hbm>>) dst(%dma_wait3A_118 : memref<128x64xf32, #tpu.memory_space<vmem>>)
      %mul3A_122 = arith.constant 4 : i32
      %mul3A_123 = arith.muli %scan3A_106, %mul3A_122 : i32
      %add3A_124 = arith.constant 0 : i32
      %add3A_125 = arith.addi %mul3A_123, %add3A_124 : i32
      %mul3A_126 = arith.constant 128 : i32
      %mul3A_127 = arith.muli %add3A_125, %mul3A_126 : i32
      %add3A_128 = arith.addi %mul3A_2, %mul3A_127 : i32
      %dma_start3A_129 = arith.constant 0 : i32
      %dma_start3A_130 = arith.constant 0 : i32
      %dma_start3A_131 = arith.constant 0 : i32
      %dma_start3A_132 = tpu.memref_slice %arg6[%dma_start3A_129, %dma_start3A_130, %dma_start3A_131] : memref<4x128x64xf32, #tpu.memory_space<vmem>> -> memref<1x128x64xf32, #tpu.memory_space<vmem>>
      %dma_start3A_133 = tpu.memref_squeeze %dma_start3A_132 : memref<1x128x64xf32, #tpu.memory_space<vmem>> -> memref<128x64xf32, #tpu.memory_space<vmem>>
      %dma_start3A_134 = arith.constant 0 : i32
      %dma_start3A_135 = tpu.memref_slice %arg4[%add3A_128, %dma_start3A_134] : memref<425984x64xf32, #tpu.memory_space<hbm>> -> memref<128x64xf32, #tpu.memory_space<hbm>>
      %dma_start3A_136 = arith.constant 0 : i32
      %dma_start3A_137 = tpu.memref_slice %arg4[%add3A_128, %dma_start3A_136] : memref<425984x64xf32, #tpu.memory_space<hbm>> -> memref<128x64xf32, #tpu.memory_space<hbm>>
      %dma_start3A_138 = arith.constant 0 : i32
      %dma_start3A_139 = arith.constant 0 : i32
      %dma_start3A_140 = tpu.memref_slice %arg6[%dma_start3A_129, %dma_start3A_138, %dma_start3A_139] : memref<4x128x64xf32, #tpu.memory_space<vmem>> -> memref<1x128x64xf32, #tpu.memory_space<vmem>>
      %dma_start3A_141 = tpu.memref_squeeze %dma_start3A_140 : memref<1x128x64xf32, #tpu.memory_space<vmem>> -> memref<128x64xf32, #tpu.memory_space<vmem>>
      tpu.enqueue_dma source(%dma_start3A_141 : memref<128x64xf32, #tpu.memory_space<vmem>>) target(%dma_start3A_137 : memref<128x64xf32, #tpu.memory_space<hbm>>) target_semaphore(%arg11 : memref<!tpu.dma_semaphore, #tpu.memory_space<semaphore_mem>>)
      %dma_wait3A_142 = arith.constant 1 : i32
      %dma_wait3A_143 = arith.constant 0 : i32
      %dma_wait3A_144 = arith.constant 0 : i32
      %dma_wait3A_145 = tpu.memref_slice %arg6[%dma_wait3A_142, %dma_wait3A_143, %dma_wait3A_144] : memref<4x128x64xf32, #tpu.memory_space<vmem>> -> memref<1x128x64xf32, #tpu.memory_space<vmem>>
      %dma_wait3A_146 = tpu.memref_squeeze %dma_wait3A_145 : memref<1x128x64xf32, #tpu.memory_space<vmem>> -> memref<128x64xf32, #tpu.memory_space<vmem>>
      %dma_wait3A_147 = arith.constant 0 : i32
      %dma_wait3A_148 = arith.constant 0 : i32
      %dma_wait3A_149 = tpu.memref_slice %arg2[%dma_wait3A_147, %dma_wait3A_148] : memref<1000000x64xf32, #tpu.memory_space<hbm>> -> memref<128x64xf32, #tpu.memory_space<hbm>>
      %dma_wait3A_150 = arith.constant 0 : i32
      %dma_wait3A_151 = arith.constant 0 : i32
      %dma_wait3A_152 = tpu.memref_slice %arg6[%dma_wait3A_142, %dma_wait3A_150, %dma_wait3A_151] : memref<4x128x64xf32, #tpu.memory_space<vmem>> -> memref<1x128x64xf32, #tpu.memory_space<vmem>>
      %dma_wait3A_153 = tpu.memref_squeeze %dma_wait3A_152 : memref<1x128x64xf32, #tpu.memory_space<vmem>> -> memref<128x64xf32, #tpu.memory_space<vmem>>
      %dma_wait3A_154 = arith.constant 0 : i32
      %dma_wait3A_155 = arith.constant 0 : i32
      %dma_wait3A_156 = tpu.memref_slice %arg2[%dma_wait3A_154, %dma_wait3A_155] : memref<1000000x64xf32, #tpu.memory_space<hbm>> -> memref<128x64xf32, #tpu.memory_space<hbm>>
      tpu.wait_dma2 semaphore(%arg8 : memref<!tpu.dma_semaphore, #tpu.memory_space<semaphore_mem>>) src(%dma_wait3A_156 : memref<128x64xf32, #tpu.memory_space<hbm>>) dst(%dma_wait3A_153 : memref<128x64xf32, #tpu.memory_space<vmem>>)
      %mul3A_157 = arith.constant 4 : i32
      %mul3A_158 = arith.muli %scan3A_106, %mul3A_157 : i32
      %add3A_159 = arith.constant 1 : i32
      %add3A_160 = arith.addi %mul3A_158, %add3A_159 : i32
      %mul3A_161 = arith.constant 128 : i32
      %mul3A_162 = arith.muli %add3A_160, %mul3A_161 : i32
      %add3A_163 = arith.addi %mul3A_2, %mul3A_162 : i32
      %dma_start3A_164 = arith.constant 1 : i32
      %dma_start3A_165 = arith.constant 0 : i32
      %dma_start3A_166 = arith.constant 0 : i32
      %dma_start3A_167 = tpu.memref_slice %arg6[%dma_start3A_164, %dma_start3A_165, %dma_start3A_166] : memref<4x128x64xf32, #tpu.memory_space<vmem>> -> memref<1x128x64xf32, #tpu.memory_space<vmem>>
      %dma_start3A_168 = tpu.memref_squeeze %dma_start3A_167 : memref<1x128x64xf32, #tpu.memory_space<vmem>> -> memref<128x64xf32, #tpu.memory_space<vmem>>
      %dma_start3A_169 = arith.constant 0 : i32
      %dma_start3A_170 = tpu.memref_slice %arg4[%add3A_163, %dma_start3A_169] : memref<425984x64xf32, #tpu.memory_space<hbm>> -> memref<128x64xf32, #tpu.memory_space<hbm>>
      %dma_start3A_171 = arith.constant 0 : i32
      %dma_start3A_172 = tpu.memref_slice %arg4[%add3A_163, %dma_start3A_171] : memref<425984x64xf32, #tpu.memory_space<hbm>> -> memref<128x64xf32, #tpu.memory_space<hbm>>
      %dma_start3A_173 = arith.constant 0 : i32
      %dma_start3A_174 = arith.constant 0 : i32
      %dma_start3A_175 = tpu.memref_slice %arg6[%dma_start3A_164, %dma_start3A_173, %dma_start3A_174] : memref<4x128x64xf32, #tpu.memory_space<vmem>> -> memref<1x128x64xf32, #tpu.memory_space<vmem>>
      %dma_start3A_176 = tpu.memref_squeeze %dma_start3A_175 : memref<1x128x64xf32, #tpu.memory_space<vmem>> -> memref<128x64xf32, #tpu.memory_space<vmem>>
      tpu.enqueue_dma source(%dma_start3A_176 : memref<128x64xf32, #tpu.memory_space<vmem>>) target(%dma_start3A_172 : memref<128x64xf32, #tpu.memory_space<hbm>>) target_semaphore(%arg12 : memref<!tpu.dma_semaphore, #tpu.memory_space<semaphore_mem>>)
      %dma_wait3A_177 = arith.constant 2 : i32
      %dma_wait3A_178 = arith.constant 0 : i32
      %dma_wait3A_179 = arith.constant 0 : i32
      %dma_wait3A_180 = tpu.memref_slice %arg6[%dma_wait3A_177, %dma_wait3A_178, %dma_wait3A_179] : memref<4x128x64xf32, #tpu.memory_space<vmem>> -> memref<1x128x64xf32, #tpu.memory_space<vmem>>
      %dma_wait3A_181 = tpu.memref_squeeze %dma_wait3A_180 : memref<1x128x64xf32, #tpu.memory_space<vmem>> -> memref<128x64xf32, #tpu.memory_space<vmem>>
      %dma_wait3A_182 = arith.constant 0 : i32
      %dma_wait3A_183 = arith.constant 0 : i32
      %dma_wait3A_184 = tpu.memref_slice %arg2[%dma_wait3A_182, %dma_wait3A_183] : memref<1000000x64xf32, #tpu.memory_space<hbm>> -> memref<128x64xf32, #tpu.memory_space<hbm>>
      %dma_wait3A_185 = arith.constant 0 : i32
      %dma_wait3A_186 = arith.constant 0 : i32
      %dma_wait3A_187 = tpu.memref_slice %arg6[%dma_wait3A_177, %dma_wait3A_185, %dma_wait3A_186] : memref<4x128x64xf32, #tpu.memory_space<vmem>> -> memref<1x128x64xf32, #tpu.memory_space<vmem>>
      %dma_wait3A_188 = tpu.memref_squeeze %dma_wait3A_187 : memref<1x128x64xf32, #tpu.memory_space<vmem>> -> memref<128x64xf32, #tpu.memory_space<vmem>>
      %dma_wait3A_189 = arith.constant 0 : i32
      %dma_wait3A_190 = arith.constant 0 : i32
      %dma_wait3A_191 = tpu.memref_slice %arg2[%dma_wait3A_189, %dma_wait3A_190] : memref<1000000x64xf32, #tpu.memory_space<hbm>> -> memref<128x64xf32, #tpu.memory_space<hbm>>
      tpu.wait_dma2 semaphore(%arg9 : memref<!tpu.dma_semaphore, #tpu.memory_space<semaphore_mem>>) src(%dma_wait3A_191 : memref<128x64xf32, #tpu.memory_space<hbm>>) dst(%dma_wait3A_188 : memref<128x64xf32, #tpu.memory_space<vmem>>)
      %mul3A_192 = arith.constant 4 : i32
      %mul3A_193 = arith.muli %scan3A_106, %mul3A_192 : i32
      %add3A_194 = arith.constant 2 : i32
      %add3A_195 = arith.addi %mul3A_193, %add3A_194 : i32
      %mul3A_196 = arith.constant 128 : i32
      %mul3A_197 = arith.muli %add3A_195, %mul3A_196 : i32
      %add3A_198 = arith.addi %mul3A_2, %mul3A_197 : i32
      %dma_start3A_199 = arith.constant 2 : i32
      %dma_start3A_200 = arith.constant 0 : i32
      %dma_start3A_201 = arith.constant 0 : i32
      %dma_start3A_202 = tpu.memref_slice %arg6[%dma_start3A_199, %dma_start3A_200, %dma_start3A_201] : memref<4x128x64xf32, #tpu.memory_space<vmem>> -> memref<1x128x64xf32, #tpu.memory_space<vmem>>
      %dma_start3A_203 = tpu.memref_squeeze %dma_start3A_202 : memref<1x128x64xf32, #tpu.memory_space<vmem>> -> memref<128x64xf32, #tpu.memory_space<vmem>>
      %dma_start3A_204 = arith.constant 0 : i32
      %dma_start3A_205 = tpu.memref_slice %arg4[%add3A_198, %dma_start3A_204] : memref<425984x64xf32, #tpu.memory_space<hbm>> -> memref<128x64xf32, #tpu.memory_space<hbm>>
      %dma_start3A_206 = arith.constant 0 : i32
      %dma_start3A_207 = tpu.memref_slice %arg4[%add3A_198, %dma_start3A_206] : memref<425984x64xf32, #tpu.memory_space<hbm>> -> memref<128x64xf32, #tpu.memory_space<hbm>>
      %dma_start3A_208 = arith.constant 0 : i32
      %dma_start3A_209 = arith.constant 0 : i32
      %dma_start3A_210 = tpu.memref_slice %arg6[%dma_start3A_199, %dma_start3A_208, %dma_start3A_209] : memref<4x128x64xf32, #tpu.memory_space<vmem>> -> memref<1x128x64xf32, #tpu.memory_space<vmem>>
      %dma_start3A_211 = tpu.memref_squeeze %dma_start3A_210 : memref<1x128x64xf32, #tpu.memory_space<vmem>> -> memref<128x64xf32, #tpu.memory_space<vmem>>
      tpu.enqueue_dma source(%dma_start3A_211 : memref<128x64xf32, #tpu.memory_space<vmem>>) target(%dma_start3A_207 : memref<128x64xf32, #tpu.memory_space<hbm>>) target_semaphore(%arg13 : memref<!tpu.dma_semaphore, #tpu.memory_space<semaphore_mem>>)
      %dma_wait3A_212 = arith.constant 3 : i32
      %dma_wait3A_213 = arith.constant 0 : i32
      %dma_wait3A_214 = arith.constant 0 : i32
      %dma_wait3A_215 = tpu.memref_slice %arg6[%dma_wait3A_212, %dma_wait3A_213, %dma_wait3A_214] : memref<4x128x64xf32, #tpu.memory_space<vmem>> -> memref<1x128x64xf32, #tpu.memory_space<vmem>>
      %dma_wait3A_216 = tpu.memref_squeeze %dma_wait3A_215 : memref<1x128x64xf32, #tpu.memory_space<vmem>> -> memref<128x64xf32, #tpu.memory_space<vmem>>
      %dma_wait3A_217 = arith.constant 0 : i32
      %dma_wait3A_218 = arith.constant 0 : i32
      %dma_wait3A_219 = tpu.memref_slice %arg2[%dma_wait3A_217, %dma_wait3A_218] : memref<1000000x64xf32, #tpu.memory_space<hbm>> -> memref<128x64xf32, #tpu.memory_space<hbm>>
      %dma_wait3A_220 = arith.constant 0 : i32
      %dma_wait3A_221 = arith.constant 0 : i32
      %dma_wait3A_222 = tpu.memref_slice %arg6[%dma_wait3A_212, %dma_wait3A_220, %dma_wait3A_221] : memref<4x128x64xf32, #tpu.memory_space<vmem>> -> memref<1x128x64xf32, #tpu.memory_space<vmem>>
      %dma_wait3A_223 = tpu.memref_squeeze %dma_wait3A_222 : memref<1x128x64xf32, #tpu.memory_space<vmem>> -> memref<128x64xf32, #tpu.memory_space<vmem>>
      %dma_wait3A_224 = arith.constant 0 : i32
      %dma_wait3A_225 = arith.constant 0 : i32
      %dma_wait3A_226 = tpu.memref_slice %arg2[%dma_wait3A_224, %dma_wait3A_225] : memref<1000000x64xf32, #tpu.memory_space<hbm>> -> memref<128x64xf32, #tpu.memory_space<hbm>>
      tpu.wait_dma2 semaphore(%arg10 : memref<!tpu.dma_semaphore, #tpu.memory_space<semaphore_mem>>) src(%dma_wait3A_226 : memref<128x64xf32, #tpu.memory_space<hbm>>) dst(%dma_wait3A_223 : memref<128x64xf32, #tpu.memory_space<vmem>>)
      %mul3A_227 = arith.constant 4 : i32
      %mul3A_228 = arith.muli %scan3A_106, %mul3A_227 : i32
      %add3A_229 = arith.constant 3 : i32
      %add3A_230 = arith.addi %mul3A_228, %add3A_229 : i32
      %mul3A_231 = arith.constant 128 : i32
      %mul3A_232 = arith.muli %add3A_230, %mul3A_231 : i32
      %add3A_233 = arith.addi %mul3A_2, %mul3A_232 : i32
      %dma_start3A_234 = arith.constant 3 : i32
      %dma_start3A_235 = arith.constant 0 : i32
      %dma_start3A_236 = arith.constant 0 : i32
      %dma_start3A_237 = tpu.memref_slice %arg6[%dma_start3A_234, %dma_start3A_235, %dma_start3A_236] : memref<4x128x64xf32, #tpu.memory_space<vmem>> -> memref<1x128x64xf32, #tpu.memory_space<vmem>>
      %dma_start3A_238 = tpu.memref_squeeze %dma_start3A_237 : memref<1x128x64xf32, #tpu.memory_space<vmem>> -> memref<128x64xf32, #tpu.memory_space<vmem>>
      %dma_start3A_239 = arith.constant 0 : i32
      %dma_start3A_240 = tpu.memref_slice %arg4[%add3A_233, %dma_start3A_239] : memref<425984x64xf32, #tpu.memory_space<hbm>> -> memref<128x64xf32, #tpu.memory_space<hbm>>
      %dma_start3A_241 = arith.constant 0 : i32
      %dma_start3A_242 = tpu.memref_slice %arg4[%add3A_233, %dma_start3A_241] : memref<425984x64xf32, #tpu.memory_space<hbm>> -> memref<128x64xf32, #tpu.memory_space<hbm>>
      %dma_start3A_243 = arith.constant 0 : i32
      %dma_start3A_244 = arith.constant 0 : i32
      %dma_start3A_245 = tpu.memref_slice %arg6[%dma_start3A_234, %dma_start3A_243, %dma_start3A_244] : memref<4x128x64xf32, #tpu.memory_space<vmem>> -> memref<1x128x64xf32, #tpu.memory_space<vmem>>
      %dma_start3A_246 = tpu.memref_squeeze %dma_start3A_245 : memref<1x128x64xf32, #tpu.memory_space<vmem>> -> memref<128x64xf32, #tpu.memory_space<vmem>>
      tpu.enqueue_dma source(%dma_start3A_246 : memref<128x64xf32, #tpu.memory_space<vmem>>) target(%dma_start3A_242 : memref<128x64xf32, #tpu.memory_space<hbm>>) target_semaphore(%arg14 : memref<!tpu.dma_semaphore, #tpu.memory_space<semaphore_mem>>)
      %add3A_247 = arith.constant 1 : i32
      %add3A_248 = arith.addi %scan3A_106, %add3A_247 : i32
      %lt3A = arith.constant 26 : i32
      %lt3A_249 = arith.cmpi slt, %add3A_248, %lt3A : i32
      %convert_element_type3A = arith.extui %lt3A_249 : i1 to i32
      %cond3A = arith.constant 0 : i32
      %cond3A_250 = arith.cmpi ne, %convert_element_type3A, %cond3A : i32
      scf.if %cond3A_250 {
        %dma_wait3A_251 = arith.constant 0 : i32
        %dma_wait3A_252 = arith.constant 0 : i32
        %dma_wait3A_253 = arith.constant 0 : i32
        %dma_wait3A_254 = tpu.memref_slice %arg6[%dma_wait3A_251, %dma_wait3A_252, %dma_wait3A_253] : memref<4x128x64xf32, #tpu.memory_space<vmem>> -> memref<1x128x64xf32, #tpu.memory_space<vmem>>
        %dma_wait3A_255 = tpu.memref_squeeze %dma_wait3A_254 : memref<1x128x64xf32, #tpu.memory_space<vmem>> -> memref<128x64xf32, #tpu.memory_space<vmem>>
        %dma_wait3A_256 = arith.constant 0 : i32
        %dma_wait3A_257 = arith.constant 0 : i32
        %dma_wait3A_258 = tpu.memref_slice %arg4[%dma_wait3A_256, %dma_wait3A_257] : memref<425984x64xf32, #tpu.memory_space<hbm>> -> memref<128x64xf32, #tpu.memory_space<hbm>>
        %dma_wait3A_259 = arith.constant 0 : i32
        %dma_wait3A_260 = arith.constant 0 : i32
        %dma_wait3A_261 = tpu.memref_slice %arg4[%dma_wait3A_259, %dma_wait3A_260] : memref<425984x64xf32, #tpu.memory_space<hbm>> -> memref<128x64xf32, #tpu.memory_space<hbm>>
        %dma_wait3A_262 = arith.constant 0 : i32
        %dma_wait3A_263 = arith.constant 0 : i32
        %dma_wait3A_264 = tpu.memref_slice %arg6[%dma_wait3A_251, %dma_wait3A_262, %dma_wait3A_263] : memref<4x128x64xf32, #tpu.memory_space<vmem>> -> memref<1x128x64xf32, #tpu.memory_space<vmem>>
        %dma_wait3A_265 = tpu.memref_squeeze %dma_wait3A_264 : memref<1x128x64xf32, #tpu.memory_space<vmem>> -> memref<128x64xf32, #tpu.memory_space<vmem>>
        tpu.wait_dma2 semaphore(%arg11 : memref<!tpu.dma_semaphore, #tpu.memory_space<semaphore_mem>>) src(%dma_wait3A_265 : memref<128x64xf32, #tpu.memory_space<vmem>>) dst(%dma_wait3A_261 : memref<128x64xf32, #tpu.memory_space<hbm>>)
        %add3A_266 = arith.constant 1 : i32
        %add3A_267 = arith.addi %scan3A_106, %add3A_266 : i32
        %mul3A_268 = arith.constant 4 : i32
        %mul3A_269 = arith.muli %add3A_267, %mul3A_268 : i32
        %add3A_270 = arith.constant 0 : i32
        %add3A_271 = arith.addi %mul3A_269, %add3A_270 : i32
        %mul3A_272 = arith.constant 128 : i32
        %mul3A_273 = arith.muli %add3A_271, %mul3A_272 : i32
        %dma_start3A_274 = arith.constant 0 : i32
        %dma_start3A_275 = arith.constant 0 : i32
        %dma_start3A_276 = arith.constant 0 : i32
        %dma_start3A_277 = tpu.memref_slice %arg6[%dma_start3A_274, %dma_start3A_275, %dma_start3A_276] : memref<4x128x64xf32, #tpu.memory_space<vmem>> -> memref<1x128x64xf32, #tpu.memory_space<vmem>>
        %dma_start3A_278 = tpu.memref_squeeze %dma_start3A_277 : memref<1x128x64xf32, #tpu.memory_space<vmem>> -> memref<128x64xf32, #tpu.memory_space<vmem>>
        %dma_start3A_279 = tpu.memref_slice %arg5[%mul3A_273] : memref<13312xi32, #tpu.memory_space<vmem>> -> memref<128xi32, #tpu.memory_space<vmem>>
        %dma_start3A_280 = arith.constant 0 : i32
        %dma_start3A_281 = arith.constant 0 : i32
        %dma_start3A_282 = tpu.memref_slice %arg2[%dma_start3A_280, %dma_start3A_281] : memref<1000000x64xf32, #tpu.memory_space<hbm>> -> memref<1000000x64xf32, #tpu.memory_space<hbm>>
        tpu.enqueue_indirect_dma source(%dma_start3A_282 : memref<1000000x64xf32, #tpu.memory_space<hbm>>) target(%dma_start3A_278 : memref<128x64xf32, #tpu.memory_space<vmem>>) offsets(%dma_start3A_279 : memref<128xi32, #tpu.memory_space<vmem>>) semaphore(%arg7 : memref<!tpu.dma_semaphore, #tpu.memory_space<semaphore_mem>>)
        %dma_wait3A_283 = arith.constant 1 : i32
        %dma_wait3A_284 = arith.constant 0 : i32
        %dma_wait3A_285 = arith.constant 0 : i32
        %dma_wait3A_286 = tpu.memref_slice %arg6[%dma_wait3A_283, %dma_wait3A_284, %dma_wait3A_285] : memref<4x128x64xf32, #tpu.memory_space<vmem>> -> memref<1x128x64xf32, #tpu.memory_space<vmem>>
        %dma_wait3A_287 = tpu.memref_squeeze %dma_wait3A_286 : memref<1x128x64xf32, #tpu.memory_space<vmem>> -> memref<128x64xf32, #tpu.memory_space<vmem>>
        %dma_wait3A_288 = arith.constant 0 : i32
        %dma_wait3A_289 = arith.constant 0 : i32
        %dma_wait3A_290 = tpu.memref_slice %arg4[%dma_wait3A_288, %dma_wait3A_289] : memref<425984x64xf32, #tpu.memory_space<hbm>> -> memref<128x64xf32, #tpu.memory_space<hbm>>
        %dma_wait3A_291 = arith.constant 0 : i32
        %dma_wait3A_292 = arith.constant 0 : i32
        %dma_wait3A_293 = tpu.memref_slice %arg4[%dma_wait3A_291, %dma_wait3A_292] : memref<425984x64xf32, #tpu.memory_space<hbm>> -> memref<128x64xf32, #tpu.memory_space<hbm>>
        %dma_wait3A_294 = arith.constant 0 : i32
        %dma_wait3A_295 = arith.constant 0 : i32
        %dma_wait3A_296 = tpu.memref_slice %arg6[%dma_wait3A_283, %dma_wait3A_294, %dma_wait3A_295] : memref<4x128x64xf32, #tpu.memory_space<vmem>> -> memref<1x128x64xf32, #tpu.memory_space<vmem>>
        %dma_wait3A_297 = tpu.memref_squeeze %dma_wait3A_296 : memref<1x128x64xf32, #tpu.memory_space<vmem>> -> memref<128x64xf32, #tpu.memory_space<vmem>>
        tpu.wait_dma2 semaphore(%arg12 : memref<!tpu.dma_semaphore, #tpu.memory_space<semaphore_mem>>) src(%dma_wait3A_297 : memref<128x64xf32, #tpu.memory_space<vmem>>) dst(%dma_wait3A_293 : memref<128x64xf32, #tpu.memory_space<hbm>>)
        %add3A_298 = arith.constant 1 : i32
        %add3A_299 = arith.addi %scan3A_106, %add3A_298 : i32
        %mul3A_300 = arith.constant 4 : i32
        %mul3A_301 = arith.muli %add3A_299, %mul3A_300 : i32
        %add3A_302 = arith.constant 1 : i32
        %add3A_303 = arith.addi %mul3A_301, %add3A_302 : i32
        %mul3A_304 = arith.constant 128 : i32
        %mul3A_305 = arith.muli %add3A_303, %mul3A_304 : i32
        %dma_start3A_306 = arith.constant 1 : i32
        %dma_start3A_307 = arith.constant 0 : i32
        %dma_start3A_308 = arith.constant 0 : i32
        %dma_start3A_309 = tpu.memref_slice %arg6[%dma_start3A_306, %dma_start3A_307, %dma_start3A_308] : memref<4x128x64xf32, #tpu.memory_space<vmem>> -> memref<1x128x64xf32, #tpu.memory_space<vmem>>
        %dma_start3A_310 = tpu.memref_squeeze %dma_start3A_309 : memref<1x128x64xf32, #tpu.memory_space<vmem>> -> memref<128x64xf32, #tpu.memory_space<vmem>>
        %dma_start3A_311 = tpu.memref_slice %arg5[%mul3A_305] : memref<13312xi32, #tpu.memory_space<vmem>> -> memref<128xi32, #tpu.memory_space<vmem>>
        %dma_start3A_312 = arith.constant 0 : i32
        %dma_start3A_313 = arith.constant 0 : i32
        %dma_start3A_314 = tpu.memref_slice %arg2[%dma_start3A_312, %dma_start3A_313] : memref<1000000x64xf32, #tpu.memory_space<hbm>> -> memref<1000000x64xf32, #tpu.memory_space<hbm>>
        tpu.enqueue_indirect_dma source(%dma_start3A_314 : memref<1000000x64xf32, #tpu.memory_space<hbm>>) target(%dma_start3A_310 : memref<128x64xf32, #tpu.memory_space<vmem>>) offsets(%dma_start3A_311 : memref<128xi32, #tpu.memory_space<vmem>>) semaphore(%arg8 : memref<!tpu.dma_semaphore, #tpu.memory_space<semaphore_mem>>)
        %dma_wait3A_315 = arith.constant 2 : i32
        %dma_wait3A_316 = arith.constant 0 : i32
        %dma_wait3A_317 = arith.constant 0 : i32
        %dma_wait3A_318 = tpu.memref_slice %arg6[%dma_wait3A_315, %dma_wait3A_316, %dma_wait3A_317] : memref<4x128x64xf32, #tpu.memory_space<vmem>> -> memref<1x128x64xf32, #tpu.memory_space<vmem>>
        %dma_wait3A_319 = tpu.memref_squeeze %dma_wait3A_318 : memref<1x128x64xf32, #tpu.memory_space<vmem>> -> memref<128x64xf32, #tpu.memory_space<vmem>>
        %dma_wait3A_320 = arith.constant 0 : i32
        %dma_wait3A_321 = arith.constant 0 : i32
        %dma_wait3A_322 = tpu.memref_slice %arg4[%dma_wait3A_320, %dma_wait3A_321] : memref<425984x64xf32, #tpu.memory_space<hbm>> -> memref<128x64xf32, #tpu.memory_space<hbm>>
        %dma_wait3A_323 = arith.constant 0 : i32
        %dma_wait3A_324 = arith.constant 0 : i32
        %dma_wait3A_325 = tpu.memref_slice %arg4[%dma_wait3A_323, %dma_wait3A_324] : memref<425984x64xf32, #tpu.memory_space<hbm>> -> memref<128x64xf32, #tpu.memory_space<hbm>>
        %dma_wait3A_326 = arith.constant 0 : i32
        %dma_wait3A_327 = arith.constant 0 : i32
        %dma_wait3A_328 = tpu.memref_slice %arg6[%dma_wait3A_315, %dma_wait3A_326, %dma_wait3A_327] : memref<4x128x64xf32, #tpu.memory_space<vmem>> -> memref<1x128x64xf32, #tpu.memory_space<vmem>>
        %dma_wait3A_329 = tpu.memref_squeeze %dma_wait3A_328 : memref<1x128x64xf32, #tpu.memory_space<vmem>> -> memref<128x64xf32, #tpu.memory_space<vmem>>
        tpu.wait_dma2 semaphore(%arg13 : memref<!tpu.dma_semaphore, #tpu.memory_space<semaphore_mem>>) src(%dma_wait3A_329 : memref<128x64xf32, #tpu.memory_space<vmem>>) dst(%dma_wait3A_325 : memref<128x64xf32, #tpu.memory_space<hbm>>)
        %add3A_330 = arith.constant 1 : i32
        %add3A_331 = arith.addi %scan3A_106, %add3A_330 : i32
        %mul3A_332 = arith.constant 4 : i32
        %mul3A_333 = arith.muli %add3A_331, %mul3A_332 : i32
        %add3A_334 = arith.constant 2 : i32
        %add3A_335 = arith.addi %mul3A_333, %add3A_334 : i32
        %mul3A_336 = arith.constant 128 : i32
        %mul3A_337 = arith.muli %add3A_335, %mul3A_336 : i32
        %dma_start3A_338 = arith.constant 2 : i32
        %dma_start3A_339 = arith.constant 0 : i32
        %dma_start3A_340 = arith.constant 0 : i32
        %dma_start3A_341 = tpu.memref_slice %arg6[%dma_start3A_338, %dma_start3A_339, %dma_start3A_340] : memref<4x128x64xf32, #tpu.memory_space<vmem>> -> memref<1x128x64xf32, #tpu.memory_space<vmem>>
        %dma_start3A_342 = tpu.memref_squeeze %dma_start3A_341 : memref<1x128x64xf32, #tpu.memory_space<vmem>> -> memref<128x64xf32, #tpu.memory_space<vmem>>
        %dma_start3A_343 = tpu.memref_slice %arg5[%mul3A_337] : memref<13312xi32, #tpu.memory_space<vmem>> -> memref<128xi32, #tpu.memory_space<vmem>>
        %dma_start3A_344 = arith.constant 0 : i32
        %dma_start3A_345 = arith.constant 0 : i32
        %dma_start3A_346 = tpu.memref_slice %arg2[%dma_start3A_344, %dma_start3A_345] : memref<1000000x64xf32, #tpu.memory_space<hbm>> -> memref<1000000x64xf32, #tpu.memory_space<hbm>>
        tpu.enqueue_indirect_dma source(%dma_start3A_346 : memref<1000000x64xf32, #tpu.memory_space<hbm>>) target(%dma_start3A_342 : memref<128x64xf32, #tpu.memory_space<vmem>>) offsets(%dma_start3A_343 : memref<128xi32, #tpu.memory_space<vmem>>) semaphore(%arg9 : memref<!tpu.dma_semaphore, #tpu.memory_space<semaphore_mem>>)
        %dma_wait3A_347 = arith.constant 3 : i32
        %dma_wait3A_348 = arith.constant 0 : i32
        %dma_wait3A_349 = arith.constant 0 : i32
        %dma_wait3A_350 = tpu.memref_slice %arg6[%dma_wait3A_347, %dma_wait3A_348, %dma_wait3A_349] : memref<4x128x64xf32, #tpu.memory_space<vmem>> -> memref<1x128x64xf32, #tpu.memory_space<vmem>>
        %dma_wait3A_351 = tpu.memref_squeeze %dma_wait3A_350 : memref<1x128x64xf32, #tpu.memory_space<vmem>> -> memref<128x64xf32, #tpu.memory_space<vmem>>
        %dma_wait3A_352 = arith.constant 0 : i32
        %dma_wait3A_353 = arith.constant 0 : i32
        %dma_wait3A_354 = tpu.memref_slice %arg4[%dma_wait3A_352, %dma_wait3A_353] : memref<425984x64xf32, #tpu.memory_space<hbm>> -> memref<128x64xf32, #tpu.memory_space<hbm>>
        %dma_wait3A_355 = arith.constant 0 : i32
        %dma_wait3A_356 = arith.constant 0 : i32
        %dma_wait3A_357 = tpu.memref_slice %arg4[%dma_wait3A_355, %dma_wait3A_356] : memref<425984x64xf32, #tpu.memory_space<hbm>> -> memref<128x64xf32, #tpu.memory_space<hbm>>
        %dma_wait3A_358 = arith.constant 0 : i32
        %dma_wait3A_359 = arith.constant 0 : i32
        %dma_wait3A_360 = tpu.memref_slice %arg6[%dma_wait3A_347, %dma_wait3A_358, %dma_wait3A_359] : memref<4x128x64xf32, #tpu.memory_space<vmem>> -> memref<1x128x64xf32, #tpu.memory_space<vmem>>
        %dma_wait3A_361 = tpu.memref_squeeze %dma_wait3A_360 : memref<1x128x64xf32, #tpu.memory_space<vmem>> -> memref<128x64xf32, #tpu.memory_space<vmem>>
        tpu.wait_dma2 semaphore(%arg14 : memref<!tpu.dma_semaphore, #tpu.memory_space<semaphore_mem>>) src(%dma_wait3A_361 : memref<128x64xf32, #tpu.memory_space<vmem>>) dst(%dma_wait3A_357 : memref<128x64xf32, #tpu.memory_space<hbm>>)
        %add3A_362 = arith.constant 1 : i32
        %add3A_363 = arith.addi %scan3A_106, %add3A_362 : i32
        %mul3A_364 = arith.constant 4 : i32
        %mul3A_365 = arith.muli %add3A_363, %mul3A_364 : i32
        %add3A_366 = arith.constant 3 : i32
        %add3A_367 = arith.addi %mul3A_365, %add3A_366 : i32
        %mul3A_368 = arith.constant 128 : i32
        %mul3A_369 = arith.muli %add3A_367, %mul3A_368 : i32
        %dma_start3A_370 = arith.constant 3 : i32
        %dma_start3A_371 = arith.constant 0 : i32
        %dma_start3A_372 = arith.constant 0 : i32
        %dma_start3A_373 = tpu.memref_slice %arg6[%dma_start3A_370, %dma_start3A_371, %dma_start3A_372] : memref<4x128x64xf32, #tpu.memory_space<vmem>> -> memref<1x128x64xf32, #tpu.memory_space<vmem>>
        %dma_start3A_374 = tpu.memref_squeeze %dma_start3A_373 : memref<1x128x64xf32, #tpu.memory_space<vmem>> -> memref<128x64xf32, #tpu.memory_space<vmem>>
        %dma_start3A_375 = tpu.memref_slice %arg5[%mul3A_369] : memref<13312xi32, #tpu.memory_space<vmem>> -> memref<128xi32, #tpu.memory_space<vmem>>
        %dma_start3A_376 = arith.constant 0 : i32
        %dma_start3A_377 = arith.constant 0 : i32
        %dma_start3A_378 = tpu.memref_slice %arg2[%dma_start3A_376, %dma_start3A_377] : memref<1000000x64xf32, #tpu.memory_space<hbm>> -> memref<1000000x64xf32, #tpu.memory_space<hbm>>
        tpu.enqueue_indirect_dma source(%dma_start3A_378 : memref<1000000x64xf32, #tpu.memory_space<hbm>>) target(%dma_start3A_374 : memref<128x64xf32, #tpu.memory_space<vmem>>) offsets(%dma_start3A_375 : memref<128xi32, #tpu.memory_space<vmem>>) semaphore(%arg10 : memref<!tpu.dma_semaphore, #tpu.memory_space<semaphore_mem>>)
      } else {
      }
    }
    %scan3A_46 = arith.constant 26 : i32
    %dma_wait3A = arith.constant 0 : i32
    %dma_wait3A_47 = arith.constant 0 : i32
    %dma_wait3A_48 = arith.constant 0 : i32
    %dma_wait3A_49 = tpu.memref_slice %arg6[%dma_wait3A, %dma_wait3A_47, %dma_wait3A_48] : memref<4x128x64xf32, #tpu.memory_space<vmem>> -> memref<1x128x64xf32, #tpu.memory_space<vmem>>
    %dma_wait3A_50 = tpu.memref_squeeze %dma_wait3A_49 : memref<1x128x64xf32, #tpu.memory_space<vmem>> -> memref<128x64xf32, #tpu.memory_space<vmem>>
    %dma_wait3A_51 = arith.constant 0 : i32
    %dma_wait3A_52 = arith.constant 0 : i32
    %dma_wait3A_53 = tpu.memref_slice %arg4[%dma_wait3A_51, %dma_wait3A_52] : memref<425984x64xf32, #tpu.memory_space<hbm>> -> memref<128x64xf32, #tpu.memory_space<hbm>>
    %dma_wait3A_54 = arith.constant 0 : i32
    %dma_wait3A_55 = arith.constant 0 : i32
    %dma_wait3A_56 = tpu.memref_slice %arg4[%dma_wait3A_54, %dma_wait3A_55] : memref<425984x64xf32, #tpu.memory_space<hbm>> -> memref<128x64xf32, #tpu.memory_space<hbm>>
    %dma_wait3A_57 = arith.constant 0 : i32
    %dma_wait3A_58 = arith.constant 0 : i32
    %dma_wait3A_59 = tpu.memref_slice %arg6[%dma_wait3A, %dma_wait3A_57, %dma_wait3A_58] : memref<4x128x64xf32, #tpu.memory_space<vmem>> -> memref<1x128x64xf32, #tpu.memory_space<vmem>>
    %dma_wait3A_60 = tpu.memref_squeeze %dma_wait3A_59 : memref<1x128x64xf32, #tpu.memory_space<vmem>> -> memref<128x64xf32, #tpu.memory_space<vmem>>
    tpu.wait_dma2 semaphore(%arg11 : memref<!tpu.dma_semaphore, #tpu.memory_space<semaphore_mem>>) src(%dma_wait3A_60 : memref<128x64xf32, #tpu.memory_space<vmem>>) dst(%dma_wait3A_56 : memref<128x64xf32, #tpu.memory_space<hbm>>)
    %dma_wait3A_61 = arith.constant 1 : i32
    %dma_wait3A_62 = arith.constant 0 : i32
    %dma_wait3A_63 = arith.constant 0 : i32
    %dma_wait3A_64 = tpu.memref_slice %arg6[%dma_wait3A_61, %dma_wait3A_62, %dma_wait3A_63] : memref<4x128x64xf32, #tpu.memory_space<vmem>> -> memref<1x128x64xf32, #tpu.memory_space<vmem>>
    %dma_wait3A_65 = tpu.memref_squeeze %dma_wait3A_64 : memref<1x128x64xf32, #tpu.memory_space<vmem>> -> memref<128x64xf32, #tpu.memory_space<vmem>>
    %dma_wait3A_66 = arith.constant 0 : i32
    %dma_wait3A_67 = arith.constant 0 : i32
    %dma_wait3A_68 = tpu.memref_slice %arg4[%dma_wait3A_66, %dma_wait3A_67] : memref<425984x64xf32, #tpu.memory_space<hbm>> -> memref<128x64xf32, #tpu.memory_space<hbm>>
    %dma_wait3A_69 = arith.constant 0 : i32
    %dma_wait3A_70 = arith.constant 0 : i32
    %dma_wait3A_71 = tpu.memref_slice %arg4[%dma_wait3A_69, %dma_wait3A_70] : memref<425984x64xf32, #tpu.memory_space<hbm>> -> memref<128x64xf32, #tpu.memory_space<hbm>>
    %dma_wait3A_72 = arith.constant 0 : i32
    %dma_wait3A_73 = arith.constant 0 : i32
    %dma_wait3A_74 = tpu.memref_slice %arg6[%dma_wait3A_61, %dma_wait3A_72, %dma_wait3A_73] : memref<4x128x64xf32, #tpu.memory_space<vmem>> -> memref<1x128x64xf32, #tpu.memory_space<vmem>>
    %dma_wait3A_75 = tpu.memref_squeeze %dma_wait3A_74 : memref<1x128x64xf32, #tpu.memory_space<vmem>> -> memref<128x64xf32, #tpu.memory_space<vmem>>
    tpu.wait_dma2 semaphore(%arg12 : memref<!tpu.dma_semaphore, #tpu.memory_space<semaphore_mem>>) src(%dma_wait3A_75 : memref<128x64xf32, #tpu.memory_space<vmem>>) dst(%dma_wait3A_71 : memref<128x64xf32, #tpu.memory_space<hbm>>)
    %dma_wait3A_76 = arith.constant 2 : i32
    %dma_wait3A_77 = arith.constant 0 : i32
    %dma_wait3A_78 = arith.constant 0 : i32
    %dma_wait3A_79 = tpu.memref_slice %arg6[%dma_wait3A_76, %dma_wait3A_77, %dma_wait3A_78] : memref<4x128x64xf32, #tpu.memory_space<vmem>> -> memref<1x128x64xf32, #tpu.memory_space<vmem>>
    %dma_wait3A_80 = tpu.memref_squeeze %dma_wait3A_79 : memref<1x128x64xf32, #tpu.memory_space<vmem>> -> memref<128x64xf32, #tpu.memory_space<vmem>>
    %dma_wait3A_81 = arith.constant 0 : i32
    %dma_wait3A_82 = arith.constant 0 : i32
    %dma_wait3A_83 = tpu.memref_slice %arg4[%dma_wait3A_81, %dma_wait3A_82] : memref<425984x64xf32, #tpu.memory_space<hbm>> -> memref<128x64xf32, #tpu.memory_space<hbm>>
    %dma_wait3A_84 = arith.constant 0 : i32
    %dma_wait3A_85 = arith.constant 0 : i32
    %dma_wait3A_86 = tpu.memref_slice %arg4[%dma_wait3A_84, %dma_wait3A_85] : memref<425984x64xf32, #tpu.memory_space<hbm>> -> memref<128x64xf32, #tpu.memory_space<hbm>>
    %dma_wait3A_87 = arith.constant 0 : i32
    %dma_wait3A_88 = arith.constant 0 : i32
    %dma_wait3A_89 = tpu.memref_slice %arg6[%dma_wait3A_76, %dma_wait3A_87, %dma_wait3A_88] : memref<4x128x64xf32, #tpu.memory_space<vmem>> -> memref<1x128x64xf32, #tpu.memory_space<vmem>>
    %dma_wait3A_90 = tpu.memref_squeeze %dma_wait3A_89 : memref<1x128x64xf32, #tpu.memory_space<vmem>> -> memref<128x64xf32, #tpu.memory_space<vmem>>
    tpu.wait_dma2 semaphore(%arg13 : memref<!tpu.dma_semaphore, #tpu.memory_space<semaphore_mem>>) src(%dma_wait3A_90 : memref<128x64xf32, #tpu.memory_space<vmem>>) dst(%dma_wait3A_86 : memref<128x64xf32, #tpu.memory_space<hbm>>)
    %dma_wait3A_91 = arith.constant 3 : i32
    %dma_wait3A_92 = arith.constant 0 : i32
    %dma_wait3A_93 = arith.constant 0 : i32
    %dma_wait3A_94 = tpu.memref_slice %arg6[%dma_wait3A_91, %dma_wait3A_92, %dma_wait3A_93] : memref<4x128x64xf32, #tpu.memory_space<vmem>> -> memref<1x128x64xf32, #tpu.memory_space<vmem>>
    %dma_wait3A_95 = tpu.memref_squeeze %dma_wait3A_94 : memref<1x128x64xf32, #tpu.memory_space<vmem>> -> memref<128x64xf32, #tpu.memory_space<vmem>>
    %dma_wait3A_96 = arith.constant 0 : i32
    %dma_wait3A_97 = arith.constant 0 : i32
    %dma_wait3A_98 = tpu.memref_slice %arg4[%dma_wait3A_96, %dma_wait3A_97] : memref<425984x64xf32, #tpu.memory_space<hbm>> -> memref<128x64xf32, #tpu.memory_space<hbm>>
    %dma_wait3A_99 = arith.constant 0 : i32
    %dma_wait3A_100 = arith.constant 0 : i32
    %dma_wait3A_101 = tpu.memref_slice %arg4[%dma_wait3A_99, %dma_wait3A_100] : memref<425984x64xf32, #tpu.memory_space<hbm>> -> memref<128x64xf32, #tpu.memory_space<hbm>>
    %dma_wait3A_102 = arith.constant 0 : i32
    %dma_wait3A_103 = arith.constant 0 : i32
    %dma_wait3A_104 = tpu.memref_slice %arg6[%dma_wait3A_91, %dma_wait3A_102, %dma_wait3A_103] : memref<4x128x64xf32, #tpu.memory_space<vmem>> -> memref<1x128x64xf32, #tpu.memory_space<vmem>>
    %dma_wait3A_105 = tpu.memref_squeeze %dma_wait3A_104 : memref<1x128x64xf32, #tpu.memory_space<vmem>> -> memref<128x64xf32, #tpu.memory_space<vmem>>
    tpu.wait_dma2 semaphore(%arg14 : memref<!tpu.dma_semaphore, #tpu.memory_space<semaphore_mem>>) src(%dma_wait3A_105 : memref<128x64xf32, #tpu.memory_space<vmem>>) dst(%dma_wait3A_101 : memref<128x64xf32, #tpu.memory_space<hbm>>)
    return
  }
}

module attributes {stable_mosaic.version = 14 : i64} {
  func.func @body(%arg0: i32, %arg1: memref<8192x64xf32, #tpu.memory_space<vmem>>, %arg2: memref<64x8192xf32, #tpu.memory_space<vmem>>) attributes {dimension_semantics = [#tpu.dimension_semantics<arbitrary>], iteration_bounds = array<i64: 52>, scalar_prefetch = 0 : i64, scratch_operands = 0 : i64, tpu.core_type = #tpu.core_type<tc>, window_params = [{transform_indices = @transform_0, window_bounds = array<i64: 8192, 64>}, {transform_indices = @transform_1, window_bounds = array<i64: 64, 8192>}]} {
    %get3A = arith.constant 0 : index
    %get3A_0 = arith.constant 0 : index
    %get3A_1 = vector.load %arg1[%get3A, %get3A_0] : memref<8192x64xf32, #tpu.memory_space<vmem>>, vector<8192x64xf32>
    %transpose3A = tpu.transpose %get3A_1, [1, 0] : vector<8192x64xf32> -> vector<64x8192xf32>
    %swap3A = arith.constant 0 : index
    %swap3A_2 = arith.constant 0 : index
    %swap3A_3 = vector.load %arg2[%swap3A, %swap3A_2] : memref<64x8192xf32, #tpu.memory_space<vmem>>, vector<64x8192xf32>
    tpu.vector_store %arg2[%swap3A, %swap3A_2], %transpose3A {strides = array<i32>} : memref<64x8192xf32, #tpu.memory_space<vmem>>, vector<64x8192xf32>,
    return
  }
  func.func @transform_0(%arg0: i32) -> (i32, i32) {
    %c0_i32 = arith.constant 0 : i32
    %c0_i32_0 = arith.constant 0 : i32
    return %arg0, %c0_i32 : i32, i32
  }
  func.func @transform_1(%arg0: i32) -> (i32, i32) {
    %c0_i32 = arith.constant 0 : i32
    %c0_i32_0 = arith.constant 0 : i32
    return %c0_i32, %arg0 : i32, i32
  }
}

module attributes {stable_mosaic.version = 14 : i64} {
  func.func @body(%arg0: i32, %arg1: memref<64x8192xf32, #tpu.memory_space<vmem>>, %arg2: memref<8192x64xf32, #tpu.memory_space<vmem>>) attributes {dimension_semantics = [#tpu.dimension_semantics<arbitrary>], iteration_bounds = array<i64: 123>, scalar_prefetch = 0 : i64, scratch_operands = 0 : i64, tpu.core_type = #tpu.core_type<tc>, window_params = [{transform_indices = @transform_0, window_bounds = array<i64: 64, 8192>}, {transform_indices = @transform_1, window_bounds = array<i64: 8192, 64>}]} {
    %get3A = arith.constant 0 : index
    %get3A_0 = arith.constant 0 : index
    %get3A_1 = vector.load %arg1[%get3A, %get3A_0] : memref<64x8192xf32, #tpu.memory_space<vmem>>, vector<64x8192xf32>
    %transpose3A = tpu.transpose %get3A_1, [1, 0] : vector<64x8192xf32> -> vector<8192x64xf32>
    %swap3A = arith.constant 0 : index
    %swap3A_2 = arith.constant 0 : index
    %swap3A_3 = vector.load %arg2[%swap3A, %swap3A_2] : memref<8192x64xf32, #tpu.memory_space<vmem>>, vector<8192x64xf32>
    tpu.vector_store %arg2[%swap3A, %swap3A_2], %transpose3A {strides = array<i32>} : memref<8192x64xf32, #tpu.memory_space<vmem>>, vector<8192x64xf32>,
    return
  }
  func.func @transform_0(%arg0: i32) -> (i32, i32) {
    %c0_i32 = arith.constant 0 : i32
    %c0_i32_0 = arith.constant 0 : i32
    return %c0_i32, %arg0 : i32, i32
  }
  func.func @transform_1(%arg0: i32) -> (i32, i32) {
    %c0_i32 = arith.constant 0 : i32
    %c0_i32_0 = arith.constant 0 : i32
    return %arg0, %c0_i32 : i32, i32
  }
}

</mosaic_0001>

<sc_bundles>
// kernel: kernel.5.cloned.1.call-start
scs
__scs_entry_jumppad:
0x0: {  	(pc) =	sbr.rel $0x88, $3  }
0x1: {  	(tag) =	ssettag $0x0;
	lr =	simm.s32 $0x1  }
0x2: {  	[smem:$0x3F9F] =	sst lr;
	_ =	strace $0xD0000000  }
0x3: {  	_ = 	snop  }
0x4: {  	_ = 	snop  }
0x5: {  	_ = 	snop  }
0x6: {  	_ = 	snop  }
0x7: {  	_ = 	snop  }
__scs_overlays_trampoline_lowered:
0x8: {  	[smem:$0x3FAE] =	sst s0  }
0x9: {  	[smem:$0x3FAF] =	sst s1  }
0xa: {  	[smem:$0x3FB0] =	sst s2  }
0xb: {  	[smem:$0x3FB1] =	sst s3  }
0xc: {  	[smem:$0x3FB2] =	sst s4  }
0xd: {  	[smem:$0x3FB3] =	sst s5  }
0xe: {  	[smem:$0x3FB4] =	sst s6  }
0xf: {  	[smem:$0x3FB5] =	sst s7  }
0x10: {  	[smem:$0x3FB6] =	sst s8  }
0x11: {  	[smem:$0x3FB7] =	sst s9;
	s0 =	simm.s32 @!p0 $0x0  }
0x12: {  	s1 =	sld [smem:$0x3F9D];
	s0 =	simm.s32 @p0 $0x1  }
0x13: {  	[smem:$0x3FB8] =	sst s0;
	s0 =	simm.s32 @!p1 $0x0  }
0x14: {  	s2 =	sld [smem:$0x3F9C];
	s0 =	simm.s32 @p1 $0x1  }
0x15: {  	[smem:$0x3FB9] =	sst s0;
	s0 =	simm.s32 @!p2 $0x0  }
0x16: {  	s3 =	sld [smem:$0x3FDB];
	s0 =	simm.s32 @p2 $0x1  }
0x17: {  	s4 =	simm.s32 $0x1BF5;
	[smem:$0x3FBB] =	sst s0  }
0x18: {  	s0 =	sld [smem:$0x3F9E];
	_ =	swait.ge [sflag:s4], $0x0  }
0x19: {  	s7 =	sld [smem:$0x3F9F]  }
0x1a: {  	s8 =	sadd.s32 $0xFFFFE003, lr  }
0x1b: {  	s9 =	sadd.s32 $0xFFFFFEF7, lr;
	s5 =	simm.s32 $0xFFFFFFFF;
	p2 =	slt.u32 s8, $0xFFFFF086  }
0x1c: {  	p1 =	slt.u32 s9, $0xF7A;
	s5 =	simm.s32 @!p2 $0x0  }
0x1d: {  	s5 =	simm.s32 @p1 $0x1;
	p0 =	seq.s32 s7, s2  }
0x1e: {  	s7 =	smul.u32 @!p0 $0xF7A, s2;
	p2 =	seq.s32 @!p0 s5, $0x0  }
0x1f: {  	s9 =	smul.u32 $0xF7A, s1;
	s8 =	simm.s32 @!p0 $0x1BF5;
	p2 =	por !p2, p0  }
0x20: {  	[sflag:s8] =	ssyncset.s32 @!p0 $0xFFFFF086;
	s6 =	sadd.s32 @!p0 s3, s7;
	s7 =	simm.s32 @!p0 $0x108  }
0x21: {  	s3 =	sadd.s32 s3, s9;
	s6 =	sadd.s32 @!p0 $0x88, s6;
	s7 =	simm.s32 @p2 $0x1082  }
0x22: {  	[simem:s7], [sflag:s8] =	dma.local @!p0 [hbm:s6], $0xF7A  }
0x23: {  	s9 =	sor.u32 $0xD0000000, s2;
	s6 =	simm.s32 $0x108;
	_ =	swait.ge @!p0 [sflag:s8], $0x0  }
0x24: {  	s3 =	sadd.s32 $0x88, s3;
	s6 =	simm.s32 @!p1 $0x1082;
	[sflag:s4] =	ssyncset.s32 $0xFFFFF086  }
0x25: {  	[simem:s6], [sflag:s4] =	dma.local [hbm:s3], $0xF7A  }
0x26: {  	[smem:$0x3F9F] =	sst s1;
	(tag) =	ssettag s2;
	_ =	strace s9  }
0x27: {  	s1 =	sld [smem:$0x3FAF]  }
0x28: {  	s2 =	sld [smem:$0x3FB0]  }
0x29: {  	s4 =	sld [smem:$0x3FB2]  }
0x2a: {  	p0 =	seq.s32 s5, $0x0;
	s5 =	sld [smem:$0x3FB3]  }
0x2b: {  	s6 =	sld [smem:$0x3FB4]  }
0x2c: {  	s7 =	sld [smem:$0x3FB5]  }
0x2d: {  	s3 =	simm.s32 $0x108;
	s8 =	sld [smem:$0x3FB6]  }
0x2e: {  	s3 =	simm.s32 @!p0 $0x1082;
	s9 =	sld [smem:$0x3FB7]  }
0x2f: {  	lr =	sadd.s32 s0, s3;
	s0 =	sld [smem:$0x3FAE]  }
0x30: {  	s3 =	sld [smem:$0x3FB1]  }
0x31: {  	[smem:$0x3FBA] =	sst s10  }
0x32: {  	s10 =	sld [smem:$0x3FB8];
	_ =	sdelay $0x3  }
0x33: {  	p0 =	seq.s32 s10, $0x1;
	s10 =	sld [smem:$0x3FBA];
	_ =	sdelay $0x3  }
0x34: {  	[smem:$0x3FBA] =	sst s10  }
0x35: {  	s10 =	sld [smem:$0x3FB9];
	_ =	sdelay $0x3  }
0x36: {  	p1 =	seq.s32 s10, $0x1;
	s10 =	sld [smem:$0x3FBA];
	_ =	sdelay $0x3  }
0x37: {  	[smem:$0x3FBA] =	sst s10  }
0x38: {  	s10 =	sld [smem:$0x3FBB]  }
0x39: {  	_ = 	snop;
	(pc) =	sbr.ind lr, $3  }
0x3a: {  	_ = 	snop  }
0x3b: {  	_ = 	snop  }
0x3c: {  	p2 =	seq.s32 s10, $0x1;
	s10 =	sld [smem:$0x3FBA]  }
0x3d: {  	_ =	shalt  }
0x3e: {  	_ =	shalt  }
0x3f: {  	_ =	shalt  }
0x40: {  	_ =	shalt  }
0x41: {  	_ =	shalt  }
0x42: {  	_ =	shalt  }
0x43: {  	_ =	shalt  }
0x44: {  	_ =	shalt  }
0x45: {  	_ =	shalt  }
0x46: {  	_ =	shalt  }
0x47: {  	_ =	shalt  }
0x48: {  	_ =	shalt  }
0x49: {  	_ =	shalt  }
0x4a: {  	_ =	shalt  }
0x4b: {  	_ =	shalt  }
0x4c: {  	_ =	shalt  }
0x4d: {  	_ =	shalt  }
0x4e: {  	_ =	shalt  }
0x4f: {  	_ =	shalt  }
0x50: {  	_ =	shalt  }
0x51: {  	_ =	shalt  }
0x52: {  	_ =	shalt  }
0x53: {  	_ =	shalt  }
0x54: {  	_ =	shalt  }
0x55: {  	_ =	shalt  }
0x56: {  	_ =	shalt  }
0x57: {  	_ =	shalt  }
0x58: {  	_ =	shalt  }
0x59: {  	_ =	shalt  }
0x5a: {  	_ =	shalt  }
0x5b: {  	_ =	shalt  }
0x5c: {  	_ =	shalt  }
0x5d: {  	_ =	shalt  }
0x5e: {  	_ =	shalt  }
0x5f: {  	_ =	shalt  }
0x60: {  	_ =	shalt  }
0x61: {  	_ =	shalt  }
0x62: {  	_ =	shalt  }
0x63: {  	_ =	shalt  }
0x64: {  	_ =	shalt  }
0x65: {  	_ =	shalt  }
0x66: {  	_ =	shalt  }
0x67: {  	_ =	shalt  }
0x68: {  	_ =	shalt  }
0x69: {  	_ =	shalt  }
0x6a: {  	_ =	shalt  }
0x6b: {  	_ =	shalt  }
0x6c: {  	_ =	shalt  }
0x6d: {  	_ =	shalt  }
0x6e: {  	_ =	shalt  }
0x6f: {  	_ =	shalt  }
0x70: {  	_ =	shalt  }
0x71: {  	_ =	shalt  }
0x72: {  	_ =	shalt  }
0x73: {  	_ =	shalt  }
0x74: {  	_ =	shalt  }
0x75: {  	_ =	shalt  }
0x76: {  	_ =	shalt  }
0x77: {  	_ =	shalt  }
0x78: {  	_ =	shalt  }
0x79: {  	_ =	shalt  }
0x7a: {  	_ =	shalt  }
0x7b: {  	_ =	shalt  }
0x7c: {  	_ =	shalt  }
0x7d: {  	_ =	shalt  }
0x7e: {  	_ =	shalt  }
0x7f: {  	_ =	shalt  }
0x80: {  	_ =	shalt  }
0x81: {  	_ =	shalt  }
0x82: {  	_ =	shalt  }
0x83: {  	_ =	shalt  }
0x84: {  	_ =	shalt  }
0x85: {  	_ =	shalt  }
0x86: {  	_ =	shalt  }
0x87: {  	_ =	shalt  }
.Lfunc_end0:
.L_simem_size_0:
called_computation_lowered:
.L_overlay_start_0:
0x88: {  	s2 =	sld [smem:$0x3FD9]  }
0x89: {  	s3 =	sld [smem:$0x3FFE];
	_ =	sdelay $0x1  }
0x8a: {  	s1 =	srdreg.scid  }
0x8b: {  	s0 =	sand.u32 $0x1, s1  }
0x8c: {  	s17 =	sshll.u32 s0, $0xA;
	s2 =	sadd.s32 s3, s2  }
0x8d: {  	s2 =	sadd.s32 s2, s17  }
0x8e: {  	[smem:$0x3FC6] =	sst s2  }
0x8f: {  	_ = 	snop  }
0x90: {  	s2 =	sld [smem:$0x3FC8]  }
0x91: {  	s18 =	sld [smem:$0x3FD0];
	(tm) =	ssettm $0x1  }
0x92: {  	s4 =	sld [smem:$0x3FFB];
	_ =	sdelay $0x3  }
0x93: {  	_ =	strace s4  }
0x94: {  	s4 =	sld [smem:$0x3FFC];
	_ =	sdelay $0x3  }
0x95: {  	_ =	strace s4  }
0x96: {  	s4 =	sld [smem:$0x3FFD];
	_ =	sdelay $0x3  }
0x97: {  	_ =	strace s4  }
0x98: {  	_ =	strace $0x8FFFFFFF  }
0x99: {  	s19 =	sld [smem:$0x3FDB];
	_ =	sdelay $0x1  }
0x9a: {  	s5 =	simm.s32 $_scs_section_size  }
0x9b: {  	s6 =	simm.s32 $_size__tile_overlayer_lowered;
	s7 =	simm.s32 $_tile_overlayer_lowered  }
0x9c: {  	s22 =	simm.s32 $0x1BFF;
	s21 =	sshll.u32 s7, $0x1;
	s4 =	sadd.s32 s5, s19  }
0x9d: {  	s8 =	simm.s32 $0x0;
	s20 =	sshll.u32 s6, $0x1;
	s6 =	sadd.s32 s21, s4  }
0x9e: {  	[timem:s8], [sflag:s22] =	dma.local [hbm:s6], s20  }
0x9f: {  	_ =	swait.ge [sflag:s22], s20  }
0xa0: {  	s5 =	ssub.s32 $0x0, s20;
	[sflag:s22] =	ssyncset.done $0x0  }
0xa1: {  	[sflag:s22] =	ssyncadd.s32 s5;
	_ =	sdelay $0x1  }
0xa2: {  	s23 =	simm.s32 $0x1B8B  }
0xa3: {  	_ =	swait.ge [sflag:s23], $0x1  }
0xa4: {  	[sflag:s23] =	ssyncset.done $0x0  }
0xa5: {  	s25 =	simm.s32 $0x1B8E;
	s24 =	sld [smem:$0x3FFE];
	[sflag:s23] =	ssyncadd.s32 $0xFFFFFFFF  }
0xa6: {  	s26 =	simm.s32 $execute0_lowered;
	[smem:$0x3FD2] =	sst s25  }
0xa7: {  	s6 =	sshll.u32 s26, $0x1;
	_ =	strace $0x80000046;
	[dreg:$0x1] =	wrdreg $0xFFFFFFFF  }
0xa8: {  	s28 =	simm.s32 $_size_execute0_lowered;
	s4 =	sadd.s32 s4, s6;
	[dreg:$0x0] =	wrdreg $0x0  }
0xa9: {  	s6 =	sshll.u32 s28, $0x1;
	[dreg:$0x2] =	wrdreg s4  }
0xaa: {  	[dreg:$0x3] =	wrdreg s6  }
0xab: {  	[dreg:$0x4] =	wrdreg $0xC0  }
0xac: {  	_ =	task [dreg:s8], $0x5FFFF  }
0xad: {  	[dreg:$0x1] =	wrdreg $0xFFFFFFFF  }
0xae: {  	[dreg:$0x0] =	wrdreg $0x60  }
0xaf: {  	[dreg:$0x2] =	wrdreg s24  }
0xb0: {  	[dreg:$0x3] =	wrdreg s2  }
0xb1: {  	[dreg:$0x4] =	wrdreg s18  }
0xb2: {  	[dreg:$0x5] =	wrdreg $0x9  }
0xb3: {  	_ =	task.clear_ibuf [dreg:s8], $0x6FFFF;
	_ =	strace $0x90000046  }
0xb4: {  	s29 =	simm.s32 $0x9;
	_ =	strace $0x80000048  }
0xb5: {  	_ =	swait.ge [sflag:s29], $0x1  }
0xb6: {  	[sflag:s29] =	ssyncadd.s32 $0xFFFFFFFF  }
0xb7: {  	_ =	strace $0x90000048  }
0xb8: {  	_ =	sfence  }
0xb9: {  	s30 =	sld [smem:$0x0];
	_ =	sdelay $0x2  }
0xba: {  	s31 =	sshll.u32 s1, $0xD;
	s1 =	sshrl.u32 s1, $0x2  }
0xbb: {  	s3 =	sand.u32 $0x4000, s31;
	s1 =	sadd.s32 s1, s30  }
0xbc: {  	s0 =	sor.u32 s3, s0;
	s1 =	sshll.u32 s1, $0x11  }
0xbd: {  	s0 =	sor.u32 s1, s0  }
0xbe: {  	s0 =	sadd.s32 $0x8F2B, s0  }
0xbf: {  	[sflag:s0] =	ssyncadd.remote.s32 $0x1  }
0xc0: {  	_ =	sfence.sel $0xFFFF  }
0xc1: {  	[dreg:$0x0] =	wrdreg $0xFFFFFFFF;
	(pc) =	sbr.abs _section_cstart, $3  }
0xc2: {  	[dreg:$0x1] =	wrdreg $0xFFFFFFFF  }
0xc3: {  	_ =	task.clear_ibuf [dreg:s8], $0x2FFFF;
	_ =	strace $0x9FFFFFFF  }
0xc4: {  	(tm) =	ssettm $0x7FFFFFFF  }
0xc5: {  	_ =	shalt  }
tec
execute0_lowered:
.L_overlay_start_1:
0x0: {  	(tag) =	ssettag $0x1  }
0x1: {  	s0 =	rddreg [dreg:$0x0]  }
0x2: {  	s1 =	rddreg [dreg:$0x1];
	s2 =	srdreg.scid  }
0x3: {  	s11 =	stileid.u32;
	s10 =	rddreg [dreg:$0x2];
	s14 =	simm.s32 $0x9  }
0x4: {  	s15 =	simm.s32 $0x80;
	s16 =	simm.s32 $0x3400;
	s17 =	simm.s32 $0x5400  }
0x5: {  	s19 =	simm.s32 $0x7400;
	s28 =	simm.s32 $0x6;
	s9 =	smul.u32 $0x1A0000, s11  }
0x6: {  	s29 =	simm.s32 $0x7;
	s6 =	sand.u32 $0x1, s2;
	s22 =	smul.u32 $0x6800, s11  }
0x7: {  	s30 =	simm.s32 $0x8;
	s3 =	sshll.u32 s11, $0x1;
	s24 =	smul.u32 $0x3400, s6  }
0x8: {  	s2 =	simm.s32 $0x0;
	s4 =	sor.u32 s6, s3;
	s13 =	smul.u32 $0xD0000, s6  }
0x9: {  	s31 =	simm.s32 $0x0;
	[smem:$0x7FF] =	sst s2;
	s5 =	smul.u32 $0x3400, s4  }
0xa: {  	s3 =	sadd.s32 $0xF42800, s0;
	s20 =	ssub.s32 $0x2, s6;
	s7 =	smul.u32 $0xD0000, s4  }
0xb: {  	_ =	strace $0x80000047;
	s8 =	smul.u32 $0x1A000, s4;
	s21 =	sshrl.u32 s20, $0x1  }
0xc: {  	s0 =	ssub.s32 s20, s21;
	s25 =	sadd.s32 s24, s22;
	s26 =	sadd.s32 s13, s9  }
0xd: {  	s21 =	simm.s32 $0x9400;
	s22 =	simm.s32 $0x1;
	s24 =	simm.s32 $0x3  }
0xe: {  	s5 =	sshrl.u32 s5, $0x3;
	s23 =	sshrl.u32 s7, $0x3;
	s12 =	sadd.s32 s10, s8  }
0xf: {  	s1 =	sadd.s32 s1, s5;
	s5 =	smax.u32 s0, $0x1;
	s0 =	sadd.s32 s10, s23  }
0x10: {  	s7 =	sadd.s32 $0x19400, s12;
	s8 =	sadd.s32 $0x19800, s12;
	s9 =	sadd.s32 $0x19C00, s12  }
0x11: {  	s23 =	simm.s32 $0x2;
	[dreg:$0x4] =	wrdreg s1;
	s6 =	sadd.s32 $0x19000, s0  }
0x12: {  	s0 =	sshll.u32 s25, $0x3;
	s1 =	sshrl.u32 s26, $0x3;
	s25 =	simm.s32 $0x4  }
0x13: {  	s26 =	simm.s32 $0x5;
	s0 =	sadd.s32 s0, s10;
	s10 =	sadd.s32 s1, s10  }
0x14: {  	s11 =	sadd.s32 $0xC00, s0;
	s12 =	sadd.s32 $0x800, s0;
	s13 =	sadd.s32 $0x400, s0  }
.LBB2_1:
0x15: {  	s0 =	rddreg [dreg:$0x4]  }
0x16: {  	[tilespmem:s2], [sflag:$0x9] =	stream.linear.gather [hbm4b:s0+s2], $0x3400, $0x38;
	[tilespmem:$0xB400] =	vst v63  }
0x17: {  	_ =	swait.ge [sflag:s14], $0x3400  }
0x18: {  	[sflag:s14] =	ssyncset.done $0x0  }
0x19: {  	[sflag:s14] =	ssyncadd.s32 $0xFFFFCC00  }
0x1a: {  	[tilespmem:s16], [sflag:$0x1] =	stream.indirect.gather [hbm4b:s3+s15], $0x40, s2, s15, $0xb8;
	[tilespmem:$0xB400] =	vst v63  }
0x1b: {  	_ = 	snop  }
0x1c: {  	[tilespmem:s17], [sflag:$0x2] =	stream.indirect.gather [hbm4b:s3+s15], $0x40, s15, s15, $0xb8;
	[tilespmem:$0xB400] =	vst v63  }
0x1d: {  	s20 =	simm.s32 $0x100  }
0x1e: {  	[tilespmem:s19], [sflag:$0x3] =	stream.indirect.gather [hbm4b:s3+s15], $0x40, s20, s15, $0xb8;
	[tilespmem:$0xB400] =	vst v63  }
0x1f: {  	s1 =	simm.s32 $0x180  }
0x20: {  	[tilespmem:s21], [sflag:$0x4] =	stream.indirect.gather [hbm4b:s3+s15], $0x40, s1, s15, $0xb8;
	[tilespmem:$0xB400] =	vst v63  }
0x21: {  	_ =	swait.ge [sflag:s22], $0x2000  }
0x22: {  	[sflag:s22] =	ssyncset.done $0x0  }
0x23: {  	s4 =	sadd.s32 $0x0, s10;
	[sflag:s22] =	ssyncadd.s32 $0xFFFFE000  }
0x24: {  	[hbm4b:s4+s2] =	stream.linear.scatter [tilespmem:s16], [sflag:$0x5], $0x2000, $0x38;
	[tilespmem:$0xB400] =	vst v63  }
0x25: {  	_ =	swait.ge [sflag:s23], $0x2000  }
0x26: {  	[sflag:s23] =	ssyncset.done $0x0  }
0x27: {  	s18 =	sadd.s32 $0x0, s13;
	[sflag:s23] =	ssyncadd.s32 $0xFFFFE000  }
0x28: {  	[hbm4b:s18+s2] =	stream.linear.scatter [tilespmem:s17], [sflag:$0x6], $0x2000, $0x38;
	[tilespmem:$0xB400] =	vst v63  }
0x29: {  	_ =	swait.ge [sflag:s24], $0x2000  }
0x2a: {  	[sflag:s24] =	ssyncset.done $0x0  }
0x2b: {  	s20 =	sadd.s32 $0x0, s12;
	[sflag:s24] =	ssyncadd.s32 $0xFFFFE000  }
0x2c: {  	[hbm4b:s20+s2] =	stream.linear.scatter [tilespmem:s19], [sflag:$0x7], $0x2000, $0x38;
	[tilespmem:$0xB400] =	vst v63  }
0x2d: {  	_ =	swait.ge [sflag:s25], $0x2000  }
0x2e: {  	[sflag:s25] =	ssyncset.done $0x0  }
0x2f: {  	s1 =	sadd.s32 $0x0, s11;
	[sflag:s25] =	ssyncadd.s32 $0xFFFFE000  }
0x30: {  	[hbm4b:s1+s2] =	stream.linear.scatter [tilespmem:s21], [sflag:$0x8], $0x2000, $0x38;
	[tilespmem:$0xB400] =	vst v63  }
0x31: {  	_ =	swait.ge [sflag:s26], $0x2000  }
0x32: {  	[sflag:s26] =	ssyncset.done $0x0  }
0x33: {  	s4 =	simm.s32 $0x200;
	[sflag:s26] =	ssyncadd.s32 $0xFFFFE000  }
0x34: {  	[tilespmem:s16], [sflag:$0x1] =	stream.indirect.gather [hbm4b:s3+s15], $0x40, s4, s15, $0xb8;
	[tilespmem:$0xB400] =	vst v63  }
0x35: {  	_ =	swait.ge [sflag:s28], $0x2000  }
0x36: {  	[sflag:s28] =	ssyncset.done $0x0  }
0x37: {  	s18 =	simm.s32 $0x280;
	[sflag:s28] =	ssyncadd.s32 $0xFFFFE000  }
0x38: {  	[tilespmem:s17], [sflag:$0x2] =	stream.indirect.gather [hbm4b:s3+s15], $0x40, s18, s15, $0xb8;
	[tilespmem:$0xB400] =	vst v63  }
0x39: {  	_ =	swait.ge [sflag:s29], $0x2000  }
0x3a: {  	[sflag:s29] =	ssyncset.done $0x0  }
0x3b: {  	s20 =	simm.s32 $0x300;
	[sflag:s29] =	ssyncadd.s32 $0xFFFFE000  }
0x3c: {  	[tilespmem:s19], [sflag:$0x3] =	stream.indirect.gather [hbm4b:s3+s15], $0x40, s20, s15, $0xb8;
	[tilespmem:$0xB400] =	vst v63  }
0x3d: {  	_ =	swait.ge [sflag:s30], $0x2000  }
0x3e: {  	s0 =	simm.s32 $0x1000;
	[sflag:s30] =	ssyncset.done $0x0  }
0x3f: {  	s1 =	simm.s32 $0x380;
	s18 =	simm.s32 $0x580;
	[sflag:s30] =	ssyncadd.s32 $0xFFFFE000  }
.LBB2_2:
0x40: {  	[tilespmem:s21], [sflag:$0x4] =	stream.indirect.gather [hbm4b:s3+s15], $0x40, s1, s15, $0xb8;
	[tilespmem:$0xB400] =	vst v63  }
0x41: {  	s20 =	smov.u32 s0;
	s1 =	smov.u32 s18  }
0x42: {  	p0 =	sne.s32 s0, $0x18000;
	s0 =	sadd.s32 $0x1000, s0;
	_ =	swait.ge [sflag:s22], $0x2000  }
0x43: {  	[sflag:s22] =	ssyncset.done $0x0  }
0x44: {  	s4 =	sadd.s32 s20, s10;
	[sflag:s22] =	ssyncadd.s32 $0xFFFFE000  }
0x45: {  	[hbm4b:s4+s2] =	stream.linear.scatter [tilespmem:s16], [sflag:$0x5], $0x2000, $0x38;
	[tilespmem:$0xB400] =	vst v63  }
0x46: {  	_ =	swait.ge [sflag:s23], $0x2000  }
0x47: {  	[sflag:s23] =	ssyncset.done $0x0  }
0x48: {  	s4 =	sadd.s32 s20, s13;
	[sflag:s23] =	ssyncadd.s32 $0xFFFFE000  }
0x49: {  	[hbm4b:s4+s2] =	stream.linear.scatter [tilespmem:s17], [sflag:$0x6], $0x2000, $0x38;
	[tilespmem:$0xB400] =	vst v63  }
0x4a: {  	_ =	swait.ge [sflag:s24], $0x2000  }
0x4b: {  	[sflag:s24] =	ssyncset.done $0x0  }
0x4c: {  	s4 =	sadd.s32 s20, s12;
	[sflag:s24] =	ssyncadd.s32 $0xFFFFE000  }
0x4d: {  	[hbm4b:s4+s2] =	stream.linear.scatter [tilespmem:s19], [sflag:$0x7], $0x2000, $0x38;
	[tilespmem:$0xB400] =	vst v63  }
0x4e: {  	_ =	swait.ge [sflag:s25], $0x2000  }
0x4f: {  	[sflag:s25] =	ssyncset.done $0x0  }
0x50: {  	s4 =	sadd.s32 s20, s11;
	[sflag:s25] =	ssyncadd.s32 $0xFFFFE000  }
0x51: {  	[hbm4b:s4+s2] =	stream.linear.scatter [tilespmem:s21], [sflag:$0x8], $0x2000, $0x38;
	[tilespmem:$0xB400] =	vst v63  }
0x52: {  	_ =	swait.ge [sflag:s26], $0x2000  }
0x53: {  	[sflag:s26] =	ssyncset.done $0x0  }
0x54: {  	s4 =	sadd.s32 $0xFFFFFE80, s18;
	[sflag:s26] =	ssyncadd.s32 $0xFFFFE000  }
0x55: {  	[tilespmem:s16], [sflag:$0x1] =	stream.indirect.gather [hbm4b:s3+s15], $0x40, s4, s15, $0xb8;
	[tilespmem:$0xB400] =	vst v63  }
0x56: {  	_ =	swait.ge [sflag:s28], $0x2000  }
0x57: {  	[sflag:s28] =	ssyncset.done $0x0  }
0x58: {  	s4 =	sadd.s32 $0xFFFFFF00, s18;
	[sflag:s28] =	ssyncadd.s32 $0xFFFFE000  }
0x59: {  	[tilespmem:s17], [sflag:$0x2] =	stream.indirect.gather [hbm4b:s3+s15], $0x40, s4, s15, $0xb8;
	[tilespmem:$0xB400] =	vst v63  }
0x5a: {  	_ =	swait.ge [sflag:s29], $0x2000  }
0x5b: {  	[sflag:s29] =	ssyncset.done $0x0  }
.Ltmp0:
0x5c: {  	s4 =	sadd.s32 $0xFFFFFF80, s18;
	[sflag:s29] =	ssyncadd.s32 $0xFFFFE000;
	(pc) =	sbr.rel @p0 .LBB2_2-.Ltmp0, $4  }
0x5d: {  	[tilespmem:s19], [sflag:$0x3] =	stream.indirect.gather [hbm4b:s3+s15], $0x40, s4, s15, $0xb8;
	[tilespmem:$0xB400] =	vst v63  }
0x5e: {  	_ =	swait.ge [sflag:s30], $0x2000  }
0x5f: {  	[sflag:s30] =	ssyncset.done $0x0  }
0x60: {  	s18 =	sadd.s32 $0x200, s18;
	[sflag:s30] =	ssyncadd.s32 $0xFFFFE000  }
0x61: {  	[tilespmem:s21], [sflag:$0x4] =	stream.indirect.gather [hbm4b:s3+s15], $0x40, s1, s15, $0xb8;
	[tilespmem:$0xB400] =	vst v63  }
0x62: {  	_ =	swait.ge [sflag:s22], $0x2000  }
0x63: {  	[sflag:s22] =	ssyncset.done $0x0  }
0x64: {  	[sflag:s22] =	ssyncadd.s32 $0xFFFFE000  }
0x65: {  	[hbm4b:s6+s2] =	stream.linear.scatter [tilespmem:s16], [sflag:$0x5], $0x2000, $0x38;
	[tilespmem:$0xB400] =	vst v63  }
0x66: {  	_ =	swait.ge [sflag:s23], $0x2000  }
0x67: {  	[sflag:s23] =	ssyncset.done $0x0  }
0x68: {  	[sflag:s23] =	ssyncadd.s32 $0xFFFFE000  }
0x69: {  	[hbm4b:s7+s2] =	stream.linear.scatter [tilespmem:s17], [sflag:$0x6], $0x2000, $0x38;
	[tilespmem:$0xB400] =	vst v63  }
0x6a: {  	_ =	swait.ge [sflag:s24], $0x2000  }
0x6b: {  	[sflag:s24] =	ssyncset.done $0x0  }
0x6c: {  	[sflag:s24] =	ssyncadd.s32 $0xFFFFE000  }
0x6d: {  	[hbm4b:s8+s2] =	stream.linear.scatter [tilespmem:s19], [sflag:$0x7], $0x2000, $0x38;
	[tilespmem:$0xB400] =	vst v63  }
0x6e: {  	_ =	swait.ge [sflag:s25], $0x2000  }
0x6f: {  	[sflag:s25] =	ssyncset.done $0x0  }
0x70: {  	[sflag:s25] =	ssyncadd.s32 $0xFFFFE000  }
0x71: {  	[hbm4b:s9+s2] =	stream.linear.scatter [tilespmem:s21], [sflag:$0x8], $0x2000, $0x38;
	[tilespmem:$0xB400] =	vst v63  }
0x72: {  	_ =	swait.ge [sflag:s26], $0x2000  }
0x73: {  	[sflag:s26] =	ssyncset.done $0x0  }
0x74: {  	[sflag:s26] =	ssyncadd.s32 $0xFFFFE000  }
0x75: {  	_ =	swait.ge [sflag:s28], $0x2000  }
0x76: {  	[sflag:s28] =	ssyncset.done $0x0  }
0x77: {  	s31 =	sadd.s32 $0x1, s31;
	[sflag:s28] =	ssyncadd.s32 $0xFFFFE000  }
0x78: {  	p0 =	sne.s32 s31, s5;
	_ =	swait.ge [sflag:s29], $0x2000  }
.Ltmp1:
0x79: {  	[sflag:s29] =	ssyncset.done $0x0;
	(pc) =	sbr.rel @p0 .LBB2_1-.Ltmp1, $4  }
0x7a: {  	[sflag:s29] =	ssyncadd.s32 $0xFFFFE000  }
0x7b: {  	_ =	swait.ge [sflag:s30], $0x2000  }
0x7c: {  	[sflag:s30] =	ssyncset.done $0x0  }
0x7d: {  	[sflag:s30] =	ssyncadd.s32 $0xFFFFE000  }
0x7e: {  	_ =	sfence.sel $0x180000  }
0x7f: {  	[bflag:$0x0] =	sbarrier.arrive $0xFFFF  }
0x80: {  	_ =	strace $0x90000047  }
0x81: {  	s0 =	stileid.u32;
	[bflag:$0x2] =	sbarrier.arrive $0xFFFF  }
0x82: {  	p0 =	sne.s32 s0, $0x0;
	s0 =	rddreg [dreg:$0x3]  }
0x83: {  	s0 =	sadd.s32 @!p0 $0x100000, s0  }
0x84: {  	[sflag:s0] =	ssyncadd.tile.s32 @!p0 $0x1;
	_ =	shalt  }
.Lfunc_end2:
_tile_overlayer_lowered:
.L_overlay_start_2:
0x85: {  	(tag) =	ssettag $0x2  }
0x86: {  	s0 =	rddreg [dreg:$0x0];
	s2 =	stileid.u32  }
0x87: {  	s1 =	rddreg [dreg:$0x1];
	p0 =	sne.s32 s2, $0x0  }
0x88: {  	s3 =	rddreg [dreg:$0x2];
	[bflag:$0x3] =	sbarrier.arrive $0xFFFF;
	s2 =	simm.s32 @!p0 $0x1C09  }
0x89: {  	[timem:s3], [sflag:s2] =	dma.local @!p0 [hbm:s0], s1  }
0x8a: {  	s0 =	simm.s32 @!p0 $0x9  }
0x8b: {  	_ =	swait.ge @!p0 [sflag:s0], s1  }
0x8c: {  	s1 =	ssub.s32 @!p0 $0x0, s1;
	[sflag:s0] =	ssyncset.done @!p0 $0x0  }
0x8d: {  	[sflag:s0] =	ssyncadd.s32 @!p0 s1  }
0x8e: {  	[bflag:$0x3] =	sbarrier.arrive $0xFFFF  }
0x8f: {  	_ =	shalt  }

</sc_bundles>
